<compile_context>
chip_gen: v7x
topology: tpu7x:2x2x1
jax: 0.10.2.dev20260603
libtpu: 0.0.44.dev20260713+nightly
codegen_flags: <defaults>
</compile_context>

<pallas_src>
import functools

import jax
import jax.numpy as jnp
from jax import lax
from jax.experimental import pallas as pl
from jax.experimental.pallas import tpu as pltpu
from jax.experimental.pallas import tpu_sc as plsc

_NC = 2
_NS = 16
_NW = _NC * _NS

_SC_ROWS = 1024
_TC_BLK = 512


def _tc_body(x_ref, pe_ref, o_ref):
    i = pl.program_id(0)
    S = pe_ref.shape[0]
    base = lax.rem(i * _TC_BLK, S)
    o_ref[...] = x_ref[...] + pe_ref[pl.ds(base, _TC_BLK), :]


def _tc_add(xf, pe_table, n_rows):
    D = xf.shape[1]
    S = pe_table.shape[0]
    return pl.pallas_call(
        _tc_body,
        out_shape=jax.ShapeDtypeStruct((n_rows, D), xf.dtype),
        grid=(n_rows // _TC_BLK,),
        in_specs=[
            pl.BlockSpec((_TC_BLK, D), lambda i: (i, 0)),
            pl.BlockSpec((S, D), lambda i: (0, 0)),
        ],
        out_specs=pl.BlockSpec((_TC_BLK, D), lambda i: (i, 0)),
    )(xf, pe_table)


def _sc_add(xf, pef, n_rows, D, x_row0, pe_row0):
    rpw = n_rows // _NW
    TILE = 16
    n_tiles = rpw // TILE
    UNROLL = 8

    @functools.partial(
        pl.kernel,
        out_type=jax.ShapeDtypeStruct((n_rows * D,), jnp.float32),
        mesh=plsc.VectorSubcoreMesh(core_axis_name="c", subcore_axis_name="s"),
        scratch_types=[
            pltpu.VMEM((2, TILE * D), jnp.float32),
            pltpu.VMEM((2, TILE * D), jnp.float32),
            pltpu.VMEM((2, TILE * D), jnp.float32),
            pltpu.SemaphoreType.DMA,
            pltpu.SemaphoreType.DMA,
        ],
    )
    def k(x_hbm, pe_hbm, out_hbm, xbuf, pebuf, obuf, insem, outsem):
        wid = lax.axis_index("s") * _NC + lax.axis_index("c")
        base = wid * (rpw * D)

        def in_copies(t, slot):
            off = base + t * (TILE * D)
            cx = pltpu.make_async_copy(
                x_hbm.at[pl.ds(x_row0 * D + off, TILE * D)], xbuf.at[slot],
                insem)
            cp = pltpu.make_async_copy(
                pe_hbm.at[pl.ds(pe_row0 * D + off, TILE * D)], pebuf.at[slot],
                insem)
            return cx, cp

        def out_copy(t, slot):
            off = base + t * (TILE * D)
            return pltpu.make_async_copy(
                obuf.at[slot], out_hbm.at[pl.ds(off, TILE * D)], outsem)

        for s in (0, 1):
            cx, cp = in_copies(s, s)
            cx.start()
            cp.start()

        def tile_body(t, slot):
            @pl.when(t >= 2)
            def _drain():
                out_copy(t - 2, slot).wait()

            cx, cp = in_copies(t, slot)
            cx.wait()
            cp.wait()

            def addv(i, carry):
                o = i * (16 * UNROLL)
                for u in range(UNROLL):
                    q = o + u * 16
                    obuf[slot, pl.ds(q, 16)] = (
                        xbuf[slot, pl.ds(q, 16)] + pebuf[slot, pl.ds(q, 16)])
                return carry

            lax.fori_loop(0, (TILE * D) // (16 * UNROLL), addv, 0)
            out_copy(t, slot).start()

            @pl.when(t + 2 < n_tiles)
            def _refill():
                nx, np_ = in_copies(t + 2, slot)
                nx.start()
                np_.start()

        def pair_body(p, carry):
            tile_body(2 * p, 0)
            tile_body(2 * p + 1, 1)
            return carry

        lax.fori_loop(0, n_tiles // 2, pair_body, 0)
        out_copy(n_tiles - 2, 0).wait()
        out_copy(n_tiles - 1, 1).wait()

    return k(xf, pef)


def kernel(x, pe_table):
    B, S, D = x.shape
    rows = B * S
    K = _SC_ROWS
    xf = x.reshape(rows, D)
    tc_out = _tc_add(xf, pe_table, rows - K)
    sc_out = _sc_add(
        xf.reshape(rows * D), pe_table.reshape(S * D),
        K, D, rows - K, S - K)
    out = jnp.concatenate([tc_out, sc_out.reshape(K, D)], axis=0)
    return out.reshape(B, S, D)

# --- scband reference (transcript-rebuilt; emitter-appended) ---
"""Pipeline reference for scband-learned-position-embedding-71536975283028 (READ-ONLY COPY).

The authoritative reference and input builder live on the scoring server;
editing this copy changes nothing except your own understanding.
"""

import jax, jax.numpy as jnp
import numpy as np

DIM = 1024
MAX_SEQ_LEN = 2048
BATCH = 4
SEQ_LEN = 2048

def setup_inputs(seed: int = 0) -> dict:
    key = jax.random.key(seed)
    kx, kpe = jax.random.split(key)
    x = jax.random.normal(kx, (BATCH, SEQ_LEN, DIM), dtype=jnp.float32)
    pe_table = jax.random.normal(kpe, (MAX_SEQ_LEN, DIM), dtype=jnp.float32)
    return {"x": x, "pe_table": pe_table}

def reference(x, pe_table):
    seq_len = x.shape[1]
    positions = jnp.arange(seq_len)[None, :]  # [1, seq_len]
    pe = jnp.take(pe_table, positions, axis=0)  # [1, seq_len, dim] embedding gather
    return x + pe

if __name__ == "__main__":
    import jax
    _d = setup_inputs()
    print(jax.jit(kernel)(*tuple(_d.values())))

</pallas_src>

<mosaic_0001>
#map = affine_map<(d0, d1) -> (0)>
module attributes {stable_mosaic.version = 14 : i64} {
  func.func @k(%arg0: i32, %arg1: i32, %arg2: memref<8388608xf32, #tpu.memory_space<hbm>>, %arg3: memref<2097152xf32, #tpu.memory_space<hbm>>, %arg4: memref<1048576xf32, #tpu.memory_space<hbm>>, %arg5: memref<2x16384xf32, #tpu.memory_space<vmem>>, %arg6: memref<2x16384xf32, #tpu.memory_space<vmem>>, %arg7: memref<2x16384xf32, #tpu.memory_space<vmem>>, %arg8: memref<!tpu.dma_semaphore, #tpu.memory_space<semaphore_mem>>, %arg9: memref<!tpu.dma_semaphore, #tpu.memory_space<semaphore_mem>>) attributes {dimension_semantics = [#tpu.dimension_semantics<core_parallel>, #tpu.dimension_semantics<subcore_parallel>], iteration_bounds = array<i64: 2, 16>, scalar_prefetch = 0 : i64, scratch_operands = 5 : i64, tpu.core_type = #tpu.core_type<sc_vector_subcore>, window_params = [{transform_indices = #map}, {transform_indices = #map}, {transform_indices = #map}]} {
    %mul3A = arith.constant 2 : i32
    %mul3A_0 = arith.muli %arg1, %mul3A : i32
    %add3A = arith.addi %mul3A_0, %arg0 : i32
    %mul3A_1 = arith.constant 32768 : i32
    %mul3A_2 = arith.muli %add3A, %mul3A_1 : i32
    %add3A_3 = arith.constant 0 : i32
    %add3A_4 = arith.addi %mul3A_2, %add3A_3 : i32
    %add3A_5 = arith.constant 7340032 : i32
    %add3A_6 = arith.addi %add3A_5, %add3A_4 : i32
    %add3A_7 = arith.constant 1048576 : i32
    %add3A_8 = arith.addi %add3A_7, %add3A_4 : i32
    %dma_start3A = arith.constant 0 : i32
    %dma_start3A_9 = arith.constant 0 : i32
    %dma_start3A_10 = tpu.memref_slice %arg5[%dma_start3A, %dma_start3A_9] : memref<2x16384xf32, #tpu.memory_space<vmem>> -> memref<1x16384xf32, #tpu.memory_space<vmem>>
    %dma_start3A_11 = tpu.memref_squeeze %dma_start3A_10 : memref<1x16384xf32, #tpu.memory_space<vmem>> -> memref<16384xf32, #tpu.memory_space<vmem>>
    %dma_start3A_12 = tpu.memref_slice %arg2[%add3A_6] : memref<8388608xf32, #tpu.memory_space<hbm>> -> memref<16384xf32, #tpu.memory_space<hbm>>
    %dma_start3A_13 = arith.constant 0 : i32
    %dma_start3A_14 = tpu.memref_slice %arg5[%dma_start3A, %dma_start3A_13] : memref<2x16384xf32, #tpu.memory_space<vmem>> -> memref<1x16384xf32, #tpu.memory_space<vmem>>
    %dma_start3A_15 = tpu.memref_squeeze %dma_start3A_14 : memref<1x16384xf32, #tpu.memory_space<vmem>> -> memref<16384xf32, #tpu.memory_space<vmem>>
    %dma_start3A_16 = tpu.memref_slice %arg2[%add3A_6] : memref<8388608xf32, #tpu.memory_space<hbm>> -> memref<16384xf32, #tpu.memory_space<hbm>>
    tpu.enqueue_dma source(%dma_start3A_16 : memref<16384xf32, #tpu.memory_space<hbm>>) target(%dma_start3A_15 : memref<16384xf32, #tpu.memory_space<vmem>>) target_semaphore(%arg8 : memref<!tpu.dma_semaphore, #tpu.memory_space<semaphore_mem>>)
    %dma_start3A_17 = arith.constant 0 : i32
    %dma_start3A_18 = arith.constant 0 : i32
    %dma_start3A_19 = tpu.memref_slice %arg6[%dma_start3A_17, %dma_start3A_18] : memref<2x16384xf32, #tpu.memory_space<vmem>> -> memref<1x16384xf32, #tpu.memory_space<vmem>>
    %dma_start3A_20 = tpu.memref_squeeze %dma_start3A_19 : memref<1x16384xf32, #tpu.memory_space<vmem>> -> memref<16384xf32, #tpu.memory_space<vmem>>
    %dma_start3A_21 = tpu.memref_slice %arg3[%add3A_8] : memref<2097152xf32, #tpu.memory_space<hbm>> -> memref<16384xf32, #tpu.memory_space<hbm>>
    %dma_start3A_22 = arith.constant 0 : i32
    %dma_start3A_23 = tpu.memref_slice %arg6[%dma_start3A_17, %dma_start3A_22] : memref<2x16384xf32, #tpu.memory_space<vmem>> -> memref<1x16384xf32, #tpu.memory_space<vmem>>
    %dma_start3A_24 = tpu.memref_squeeze %dma_start3A_23 : memref<1x16384xf32, #tpu.memory_space<vmem>> -> memref<16384xf32, #tpu.memory_space<vmem>>
    %dma_start3A_25 = tpu.memref_slice %arg3[%add3A_8] : memref<2097152xf32, #tpu.memory_space<hbm>> -> memref<16384xf32, #tpu.memory_space<hbm>>
    tpu.enqueue_dma source(%dma_start3A_25 : memref<16384xf32, #tpu.memory_space<hbm>>) target(%dma_start3A_24 : memref<16384xf32, #tpu.memory_space<vmem>>) target_semaphore(%arg8 : memref<!tpu.dma_semaphore, #tpu.memory_space<semaphore_mem>>)
    %add3A_26 = arith.constant 16384 : i32
    %add3A_27 = arith.addi %mul3A_2, %add3A_26 : i32
    %add3A_28 = arith.constant 7340032 : i32
    %add3A_29 = arith.addi %add3A_28, %add3A_27 : i32
    %add3A_30 = arith.constant 1048576 : i32
    %add3A_31 = arith.addi %add3A_30, %add3A_27 : i32
    %dma_start3A_32 = arith.constant 1 : i32
    %dma_start3A_33 = arith.constant 0 : i32
    %dma_start3A_34 = tpu.memref_slice %arg5[%dma_start3A_32, %dma_start3A_33] : memref<2x16384xf32, #tpu.memory_space<vmem>> -> memref<1x16384xf32, #tpu.memory_space<vmem>>
    %dma_start3A_35 = tpu.memref_squeeze %dma_start3A_34 : memref<1x16384xf32, #tpu.memory_space<vmem>> -> memref<16384xf32, #tpu.memory_space<vmem>>
    %dma_start3A_36 = tpu.memref_slice %arg2[%add3A_29] : memref<8388608xf32, #tpu.memory_space<hbm>> -> memref<16384xf32, #tpu.memory_space<hbm>>
    %dma_start3A_37 = arith.constant 0 : i32
    %dma_start3A_38 = tpu.memref_slice %arg5[%dma_start3A_32, %dma_start3A_37] : memref<2x16384xf32, #tpu.memory_space<vmem>> -> memref<1x16384xf32, #tpu.memory_space<vmem>>
    %dma_start3A_39 = tpu.memref_squeeze %dma_start3A_38 : memref<1x16384xf32, #tpu.memory_space<vmem>> -> memref<16384xf32, #tpu.memory_space<vmem>>
    %dma_start3A_40 = tpu.memref_slice %arg2[%add3A_29] : memref<8388608xf32, #tpu.memory_space<hbm>> -> memref<16384xf32, #tpu.memory_space<hbm>>
    tpu.enqueue_dma source(%dma_start3A_40 : memref<16384xf32, #tpu.memory_space<hbm>>) target(%dma_start3A_39 : memref<16384xf32, #tpu.memory_space<vmem>>) target_semaphore(%arg8 : memref<!tpu.dma_semaphore, #tpu.memory_space<semaphore_mem>>)
    %dma_start3A_41 = arith.constant 1 : i32
    %dma_start3A_42 = arith.constant 0 : i32
    %dma_start3A_43 = tpu.memref_slice %arg6[%dma_start3A_41, %dma_start3A_42] : memref<2x16384xf32, #tpu.memory_space<vmem>> -> memref<1x16384xf32, #tpu.memory_space<vmem>>
    %dma_start3A_44 = tpu.memref_squeeze %dma_start3A_43 : memref<1x16384xf32, #tpu.memory_space<vmem>> -> memref<16384xf32, #tpu.memory_space<vmem>>
    %dma_start3A_45 = tpu.memref_slice %arg3[%add3A_31] : memref<2097152xf32, #tpu.memory_space<hbm>> -> memref<16384xf32, #tpu.memory_space<hbm>>
    %dma_start3A_46 = arith.constant 0 : i32
    %dma_start3A_47 = tpu.memref_slice %arg6[%dma_start3A_41, %dma_start3A_46] : memref<2x16384xf32, #tpu.memory_space<vmem>> -> memref<1x16384xf32, #tpu.memory_space<vmem>>
    %dma_start3A_48 = tpu.memref_squeeze %dma_start3A_47 : memref<1x16384xf32, #tpu.memory_space<vmem>> -> memref<16384xf32, #tpu.memory_space<vmem>>
    %dma_start3A_49 = tpu.memref_slice %arg3[%add3A_31] : memref<2097152xf32, #tpu.memory_space<hbm>> -> memref<16384xf32, #tpu.memory_space<hbm>>
    tpu.enqueue_dma source(%dma_start3A_49 : memref<16384xf32, #tpu.memory_space<hbm>>) target(%dma_start3A_48 : memref<16384xf32, #tpu.memory_space<vmem>>) target_semaphore(%arg8 : memref<!tpu.dma_semaphore, #tpu.memory_space<semaphore_mem>>)
    %scan3A = arith.constant 0 : i32
    %scan3A_50 = arith.constant 0 : i32
    %mul3A_51 = arith.constant 2 : i32
    %mul3A_52 = arith.muli %mul3A_51, %scan3A_50 : i32
    %ge3A = arith.constant 2 : i32
    %ge3A_53 = arith.cmpi sge, %mul3A_52, %ge3A : i32
    %convert_element_type3A = arith.extui %ge3A_53 : i1 to i32
    %cond3A = arith.constant 0 : i32
    %cond3A_54 = arith.cmpi ne, %convert_element_type3A, %cond3A : i32
    scf.if %cond3A_54 {
      %sub3A = arith.constant 2 : i32
      %sub3A_185 = arith.subi %mul3A_52, %sub3A : i32
      %mul3A_186 = arith.constant 16384 : i32
      %mul3A_187 = arith.muli %sub3A_185, %mul3A_186 : i32
      %add3A_188 = arith.addi %mul3A_2, %mul3A_187 : i32
      %dma_wait3A_189 = arith.constant 0 : i32
      %dma_wait3A_190 = arith.constant 0 : i32
      %dma_wait3A_191 = tpu.memref_slice %arg7[%dma_wait3A_189, %dma_wait3A_190] : memref<2x16384xf32, #tpu.memory_space<vmem>> -> memref<1x16384xf32, #tpu.memory_space<vmem>>
      %dma_wait3A_192 = tpu.memref_squeeze %dma_wait3A_191 : memref<1x16384xf32, #tpu.memory_space<vmem>> -> memref<16384xf32, #tpu.memory_space<vmem>>
      %dma_wait3A_193 = tpu.memref_slice %arg4[%add3A_188] : memref<1048576xf32, #tpu.memory_space<hbm>> -> memref<16384xf32, #tpu.memory_space<hbm>>
      %dma_wait3A_194 = tpu.memref_slice %arg4[%add3A_188] : memref<1048576xf32, #tpu.memory_space<hbm>> -> memref<16384xf32, #tpu.memory_space<hbm>>
      %dma_wait3A_195 = arith.constant 0 : i32
      %dma_wait3A_196 = tpu.memref_slice %arg7[%dma_wait3A_189, %dma_wait3A_195] : memref<2x16384xf32, #tpu.memory_space<vmem>> -> memref<1x16384xf32, #tpu.memory_space<vmem>>
      %dma_wait3A_197 = tpu.memref_squeeze %dma_wait3A_196 : memref<1x16384xf32, #tpu.memory_space<vmem>> -> memref<16384xf32, #tpu.memory_space<vmem>>
      tpu.wait_dma2 semaphore(%arg9 : memref<!tpu.dma_semaphore, #tpu.memory_space<semaphore_mem>>) src(%dma_wait3A_197 : memref<16384xf32, #tpu.memory_space<vmem>>) dst(%dma_wait3A_194 : memref<16384xf32, #tpu.memory_space<hbm>>)
    } else {
    }
    %mul3A_55 = arith.constant 16384 : i32
    %mul3A_56 = arith.muli %mul3A_52, %mul3A_55 : i32
    %add3A_57 = arith.addi %mul3A_2, %mul3A_56 : i32
    %add3A_58 = arith.constant 7340032 : i32
    %add3A_59 = arith.addi %add3A_58, %add3A_57 : i32
    %add3A_60 = arith.constant 1048576 : i32
    %add3A_61 = arith.addi %add3A_60, %add3A_57 : i32
    %dma_wait3A = arith.constant 0 : i32
    %dma_wait3A_62 = arith.constant 0 : i32
    %dma_wait3A_63 = tpu.memref_slice %arg5[%dma_wait3A, %dma_wait3A_62] : memref<2x16384xf32, #tpu.memory_space<vmem>> -> memref<1x16384xf32, #tpu.memory_space<vmem>>
    %dma_wait3A_64 = tpu.memref_squeeze %dma_wait3A_63 : memref<1x16384xf32, #tpu.memory_space<vmem>> -> memref<16384xf32, #tpu.memory_space<vmem>>
    %dma_wait3A_65 = tpu.memref_slice %arg2[%add3A_59] : memref<8388608xf32, #tpu.memory_space<hbm>> -> memref<16384xf32, #tpu.memory_space<hbm>>
    %dma_wait3A_66 = arith.constant 0 : i32
    %dma_wait3A_67 = tpu.memref_slice %arg5[%dma_wait3A, %dma_wait3A_66] : memref<2x16384xf32, #tpu.memory_space<vmem>> -> memref<1x16384xf32, #tpu.memory_space<vmem>>
    %dma_wait3A_68 = tpu.memref_squeeze %dma_wait3A_67 : memref<1x16384xf32, #tpu.memory_space<vmem>> -> memref<16384xf32, #tpu.memory_space<vmem>>
    %dma_wait3A_69 = tpu.memref_slice %arg2[%add3A_59] : memref<8388608xf32, #tpu.memory_space<hbm>> -> memref<16384xf32, #tpu.memory_space<hbm>>
    tpu.wait_dma2 semaphore(%arg8 : memref<!tpu.dma_semaphore, #tpu.memory_space<semaphore_mem>>) src(%dma_wait3A_69 : memref<16384xf32, #tpu.memory_space<hbm>>) dst(%dma_wait3A_68 : memref<16384xf32, #tpu.memory_space<vmem>>)
    %dma_wait3A_70 = arith.constant 0 : i32
    %dma_wait3A_71 = arith.constant 0 : i32
    %dma_wait3A_72 = tpu.memref_slice %arg6[%dma_wait3A_70, %dma_wait3A_71] : memref<2x16384xf32, #tpu.memory_space<vmem>> -> memref<1x16384xf32, #tpu.memory_space<vmem>>
    %dma_wait3A_73 = tpu.memref_squeeze %dma_wait3A_72 : memref<1x16384xf32, #tpu.memory_space<vmem>> -> memref<16384xf32, #tpu.memory_space<vmem>>
    %dma_wait3A_74 = tpu.memref_slice %arg3[%add3A_61] : memref<2097152xf32, #tpu.memory_space<hbm>> -> memref<16384xf32, #tpu.memory_space<hbm>>
    %dma_wait3A_75 = arith.constant 0 : i32
    %dma_wait3A_76 = tpu.memref_slice %arg6[%dma_wait3A_70, %dma_wait3A_75] : memref<2x16384xf32, #tpu.memory_space<vmem>> -> memref<1x16384xf32, #tpu.memory_space<vmem>>
    %dma_wait3A_77 = tpu.memref_squeeze %dma_wait3A_76 : memref<1x16384xf32, #tpu.memory_space<vmem>> -> memref<16384xf32, #tpu.memory_space<vmem>>
    %dma_wait3A_78 = tpu.memref_slice %arg3[%add3A_61] : memref<2097152xf32, #tpu.memory_space<hbm>> -> memref<16384xf32, #tpu.memory_space<hbm>>
    tpu.wait_dma2 semaphore(%arg8 : memref<!tpu.dma_semaphore, #tpu.memory_space<semaphore_mem>>) src(%dma_wait3A_78 : memref<16384xf32, #tpu.memory_space<hbm>>) dst(%dma_wait3A_77 : memref<16384xf32, #tpu.memory_space<vmem>>)
    %scan3A_79 = arith.constant 0 : i32
    %scan3A_80 = arith.constant 0 : i32
    %scan3A_81 = arith.constant 128 : i32
    %scan3A_82 = arith.addi %scan3A_80, %scan3A_81 : i32
    %scan3A_83 = arith.constant 1 : i32
    scf.for %scan3A_185 = %scan3A_80 to %scan3A_82 step %scan3A_83  : i32 {
      %mul3A_186 = arith.constant 128 : i32
      %mul3A_187 = arith.muli %scan3A_185, %mul3A_186 : i32
      %add3A_188 = arith.constant 0 : i32
      %add3A_189 = arith.addi %mul3A_187, %add3A_188 : i32
      %get3A = arith.constant 0 : i32
      %get3A_190 = arith.index_cast %get3A : i32 to index
      %get3A_191 = arith.index_cast %add3A_189 : i32 to index
      %get3A_192 = tpu.vector_load %arg5[%get3A_190, %get3A_191] {strides = array<i32>} : memref<2x16384xf32, #tpu.memory_space<vmem>>, vector<1x16xf32>,
      %get3A_193 = vector.shape_cast %get3A_192 : vector<1x16xf32> to vector<16xf32>
      %get3A_194 = arith.constant 0 : i32
      %get3A_195 = arith.index_cast %get3A_194 : i32 to index
      %get3A_196 = arith.index_cast %add3A_189 : i32 to index
      %get3A_197 = tpu.vector_load %arg6[%get3A_195, %get3A_196] {strides = array<i32>} : memref<2x16384xf32, #tpu.memory_space<vmem>>, vector<1x16xf32>,
      %get3A_198 = vector.shape_cast %get3A_197 : vector<1x16xf32> to vector<16xf32>
      %add3A_199 = arith.addf %get3A_193, %get3A_198 : vector<16xf32>
      %swap3A = arith.constant 0 : i32
      %swap3A_200 = arith.index_cast %swap3A : i32 to index
      %swap3A_201 = arith.index_cast %add3A_189 : i32 to index
      %swap3A_202 = tpu.vector_load %arg7[%swap3A_200, %swap3A_201] {strides = array<i32>} : memref<2x16384xf32, #tpu.memory_space<vmem>>, vector<1x16xf32>,
      %swap3A_203 = vector.shape_cast %swap3A_202 : vector<1x16xf32> to vector<16xf32>
      %swap3A_204 = vector.shape_cast %add3A_199 : vector<16xf32> to vector<1x16xf32>
      tpu.vector_store %arg7[%swap3A_200, %swap3A_201], %swap3A_204 {strides = array<i32>} : memref<2x16384xf32, #tpu.memory_space<vmem>>, vector<1x16xf32>,
      %add3A_205 = arith.constant 16 : i32
      %add3A_206 = arith.addi %mul3A_187, %add3A_205 : i32
      %get3A_207 = arith.constant 0 : i32
      %get3A_208 = arith.index_cast %get3A_207 : i32 to index
      %get3A_209 = arith.index_cast %add3A_206 : i32 to index
      %get3A_210 = tpu.vector_load %arg5[%get3A_208, %get3A_209] {strides = array<i32>} : memref<2x16384xf32, #tpu.memory_space<vmem>>, vector<1x16xf32>,
      %get3A_211 = vector.shape_cast %get3A_210 : vector<1x16xf32> to vector<16xf32>
      %get3A_212 = arith.constant 0 : i32
      %get3A_213 = arith.index_cast %get3A_212 : i32 to index
      %get3A_214 = arith.index_cast %add3A_206 : i32 to index
      %get3A_215 = tpu.vector_load %arg6[%get3A_213, %get3A_214] {strides = array<i32>} : memref<2x16384xf32, #tpu.memory_space<vmem>>, vector<1x16xf32>,
      %get3A_216 = vector.shape_cast %get3A_215 : vector<1x16xf32> to vector<16xf32>
      %add3A_217 = arith.addf %get3A_211, %get3A_216 : vector<16xf32>
      %swap3A_218 = arith.constant 0 : i32
      %swap3A_219 = arith.index_cast %swap3A_218 : i32 to index
      %swap3A_220 = arith.index_cast %add3A_206 : i32 to index
      %swap3A_221 = tpu.vector_load %arg7[%swap3A_219, %swap3A_220] {strides = array<i32>} : memref<2x16384xf32, #tpu.memory_space<vmem>>, vector<1x16xf32>,
      %swap3A_222 = vector.shape_cast %swap3A_221 : vector<1x16xf32> to vector<16xf32>
      %swap3A_223 = vector.shape_cast %add3A_217 : vector<16xf32> to vector<1x16xf32>
      tpu.vector_store %arg7[%swap3A_219, %swap3A_220], %swap3A_223 {strides = array<i32>} : memref<2x16384xf32, #tpu.memory_space<vmem>>, vector<1x16xf32>,
      %add3A_224 = arith.constant 32 : i32
      %add3A_225 = arith.addi %mul3A_187, %add3A_224 : i32
      %get3A_226 = arith.constant 0 : i32
      %get3A_227 = arith.index_cast %get3A_226 : i32 to index
      %get3A_228 = arith.index_cast %add3A_225 : i32 to index
      %get3A_229 = tpu.vector_load %arg5[%get3A_227, %get3A_228] {strides = array<i32>} : memref<2x16384xf32, #tpu.memory_space<vmem>>, vector<1x16xf32>,
      %get3A_230 = vector.shape_cast %get3A_229 : vector<1x16xf32> to vector<16xf32>
      %get3A_231 = arith.constant 0 : i32
      %get3A_232 = arith.index_cast %get3A_231 : i32 to index
      %get3A_233 = arith.index_cast %add3A_225 : i32 to index
      %get3A_234 = tpu.vector_load %arg6[%get3A_232, %get3A_233] {strides = array<i32>} : memref<2x16384xf32, #tpu.memory_space<vmem>>, vector<1x16xf32>,
      %get3A_235 = vector.shape_cast %get3A_234 : vector<1x16xf32> to vector<16xf32>
      %add3A_236 = arith.addf %get3A_230, %get3A_235 : vector<16xf32>
      %swap3A_237 = arith.constant 0 : i32
      %swap3A_238 = arith.index_cast %swap3A_237 : i32 to index
      %swap3A_239 = arith.index_cast %add3A_225 : i32 to index
      %swap3A_240 = tpu.vector_load %arg7[%swap3A_238, %swap3A_239] {strides = array<i32>} : memref<2x16384xf32, #tpu.memory_space<vmem>>, vector<1x16xf32>,
      %swap3A_241 = vector.shape_cast %swap3A_240 : vector<1x16xf32> to vector<16xf32>
      %swap3A_242 = vector.shape_cast %add3A_236 : vector<16xf32> to vector<1x16xf32>
      tpu.vector_store %arg7[%swap3A_238, %swap3A_239], %swap3A_242 {strides = array<i32>} : memref<2x16384xf32, #tpu.memory_space<vmem>>, vector<1x16xf32>,
      %add3A_243 = arith.constant 48 : i32
      %add3A_244 = arith.addi %mul3A_187, %add3A_243 : i32
      %get3A_245 = arith.constant 0 : i32
      %get3A_246 = arith.index_cast %get3A_245 : i32 to index
      %get3A_247 = arith.index_cast %add3A_244 : i32 to index
      %get3A_248 = tpu.vector_load %arg5[%get3A_246, %get3A_247] {strides = array<i32>} : memref<2x16384xf32, #tpu.memory_space<vmem>>, vector<1x16xf32>,
      %get3A_249 = vector.shape_cast %get3A_248 : vector<1x16xf32> to vector<16xf32>
      %get3A_250 = arith.constant 0 : i32
      %get3A_251 = arith.index_cast %get3A_250 : i32 to index
      %get3A_252 = arith.index_cast %add3A_244 : i32 to index
      %get3A_253 = tpu.vector_load %arg6[%get3A_251, %get3A_252] {strides = array<i32>} : memref<2x16384xf32, #tpu.memory_space<vmem>>, vector<1x16xf32>,
      %get3A_254 = vector.shape_cast %get3A_253 : vector<1x16xf32> to vector<16xf32>
      %add3A_255 = arith.addf %get3A_249, %get3A_254 : vector<16xf32>
      %swap3A_256 = arith.constant 0 : i32
      %swap3A_257 = arith.index_cast %swap3A_256 : i32 to index
      %swap3A_258 = arith.index_cast %add3A_244 : i32 to index
      %swap3A_259 = tpu.vector_load %arg7[%swap3A_257, %swap3A_258] {strides = array<i32>} : memref<2x16384xf32, #tpu.memory_space<vmem>>, vector<1x16xf32>,
      %swap3A_260 = vector.shape_cast %swap3A_259 : vector<1x16xf32> to vector<16xf32>
      %swap3A_261 = vector.shape_cast %add3A_255 : vector<16xf32> to vector<1x16xf32>
      tpu.vector_store %arg7[%swap3A_257, %swap3A_258], %swap3A_261 {strides = array<i32>} : memref<2x16384xf32, #tpu.memory_space<vmem>>, vector<1x16xf32>,
      %add3A_262 = arith.constant 64 : i32
      %add3A_263 = arith.addi %mul3A_187, %add3A_262 : i32
      %get3A_264 = arith.constant 0 : i32
      %get3A_265 = arith.index_cast %get3A_264 : i32 to index
      %get3A_266 = arith.index_cast %add3A_263 : i32 to index
      %get3A_267 = tpu.vector_load %arg5[%get3A_265, %get3A_266] {strides = array<i32>} : memref<2x16384xf32, #tpu.memory_space<vmem>>, vector<1x16xf32>,
      %get3A_268 = vector.shape_cast %get3A_267 : vector<1x16xf32> to vector<16xf32>
      %get3A_269 = arith.constant 0 : i32
      %get3A_270 = arith.index_cast %get3A_269 : i32 to index
      %get3A_271 = arith.index_cast %add3A_263 : i32 to index
      %get3A_272 = tpu.vector_load %arg6[%get3A_270, %get3A_271] {strides = array<i32>} : memref<2x16384xf32, #tpu.memory_space<vmem>>, vector<1x16xf32>,
      %get3A_273 = vector.shape_cast %get3A_272 : vector<1x16xf32> to vector<16xf32>
      %add3A_274 = arith.addf %get3A_268, %get3A_273 : vector<16xf32>
      %swap3A_275 = arith.constant 0 : i32
      %swap3A_276 = arith.index_cast %swap3A_275 : i32 to index
      %swap3A_277 = arith.index_cast %add3A_263 : i32 to index
      %swap3A_278 = tpu.vector_load %arg7[%swap3A_276, %swap3A_277] {strides = array<i32>} : memref<2x16384xf32, #tpu.memory_space<vmem>>, vector<1x16xf32>,
      %swap3A_279 = vector.shape_cast %swap3A_278 : vector<1x16xf32> to vector<16xf32>
      %swap3A_280 = vector.shape_cast %add3A_274 : vector<16xf32> to vector<1x16xf32>
      tpu.vector_store %arg7[%swap3A_276, %swap3A_277], %swap3A_280 {strides = array<i32>} : memref<2x16384xf32, #tpu.memory_space<vmem>>, vector<1x16xf32>,
      %add3A_281 = arith.constant 80 : i32
      %add3A_282 = arith.addi %mul3A_187, %add3A_281 : i32
      %get3A_283 = arith.constant 0 : i32
      %get3A_284 = arith.index_cast %get3A_283 : i32 to index
      %get3A_285 = arith.index_cast %add3A_282 : i32 to index
      %get3A_286 = tpu.vector_load %arg5[%get3A_284, %get3A_285] {strides = array<i32>} : memref<2x16384xf32, #tpu.memory_space<vmem>>, vector<1x16xf32>,
      %get3A_287 = vector.shape_cast %get3A_286 : vector<1x16xf32> to vector<16xf32>
      %get3A_288 = arith.constant 0 : i32
      %get3A_289 = arith.index_cast %get3A_288 : i32 to index
      %get3A_290 = arith.index_cast %add3A_282 : i32 to index
      %get3A_291 = tpu.vector_load %arg6[%get3A_289, %get3A_290] {strides = array<i32>} : memref<2x16384xf32, #tpu.memory_space<vmem>>, vector<1x16xf32>,
      %get3A_292 = vector.shape_cast %get3A_291 : vector<1x16xf32> to vector<16xf32>
      %add3A_293 = arith.addf %get3A_287, %get3A_292 : vector<16xf32>
      %swap3A_294 = arith.constant 0 : i32
      %swap3A_295 = arith.index_cast %swap3A_294 : i32 to index
      %swap3A_296 = arith.index_cast %add3A_282 : i32 to index
      %swap3A_297 = tpu.vector_load %arg7[%swap3A_295, %swap3A_296] {strides = array<i32>} : memref<2x16384xf32, #tpu.memory_space<vmem>>, vector<1x16xf32>,
      %swap3A_298 = vector.shape_cast %swap3A_297 : vector<1x16xf32> to vector<16xf32>
      %swap3A_299 = vector.shape_cast %add3A_293 : vector<16xf32> to vector<1x16xf32>
      tpu.vector_store %arg7[%swap3A_295, %swap3A_296], %swap3A_299 {strides = array<i32>} : memref<2x16384xf32, #tpu.memory_space<vmem>>, vector<1x16xf32>,
      %add3A_300 = arith.constant 96 : i32
      %add3A_301 = arith.addi %mul3A_187, %add3A_300 : i32
      %get3A_302 = arith.constant 0 : i32
      %get3A_303 = arith.index_cast %get3A_302 : i32 to index
      %get3A_304 = arith.index_cast %add3A_301 : i32 to index
      %get3A_305 = tpu.vector_load %arg5[%get3A_303, %get3A_304] {strides = array<i32>} : memref<2x16384xf32, #tpu.memory_space<vmem>>, vector<1x16xf32>,
      %get3A_306 = vector.shape_cast %get3A_305 : vector<1x16xf32> to vector<16xf32>
      %get3A_307 = arith.constant 0 : i32
      %get3A_308 = arith.index_cast %get3A_307 : i32 to index
      %get3A_309 = arith.index_cast %add3A_301 : i32 to index
      %get3A_310 = tpu.vector_load %arg6[%get3A_308, %get3A_309] {strides = array<i32>} : memref<2x16384xf32, #tpu.memory_space<vmem>>, vector<1x16xf32>,
      %get3A_311 = vector.shape_cast %get3A_310 : vector<1x16xf32> to vector<16xf32>
      %add3A_312 = arith.addf %get3A_306, %get3A_311 : vector<16xf32>
      %swap3A_313 = arith.constant 0 : i32
      %swap3A_314 = arith.index_cast %swap3A_313 : i32 to index
      %swap3A_315 = arith.index_cast %add3A_301 : i32 to index
      %swap3A_316 = tpu.vector_load %arg7[%swap3A_314, %swap3A_315] {strides = array<i32>} : memref<2x16384xf32, #tpu.memory_space<vmem>>, vector<1x16xf32>,
      %swap3A_317 = vector.shape_cast %swap3A_316 : vector<1x16xf32> to vector<16xf32>
      %swap3A_318 = vector.shape_cast %add3A_312 : vector<16xf32> to vector<1x16xf32>
      tpu.vector_store %arg7[%swap3A_314, %swap3A_315], %swap3A_318 {strides = array<i32>} : memref<2x16384xf32, #tpu.memory_space<vmem>>, vector<1x16xf32>,
      %add3A_319 = arith.constant 112 : i32
      %add3A_320 = arith.addi %mul3A_187, %add3A_319 : i32
      %get3A_321 = arith.constant 0 : i32
      %get3A_322 = arith.index_cast %get3A_321 : i32 to index
      %get3A_323 = arith.index_cast %add3A_320 : i32 to index
      %get3A_324 = tpu.vector_load %arg5[%get3A_322, %get3A_323] {strides = array<i32>} : memref<2x16384xf32, #tpu.memory_space<vmem>>, vector<1x16xf32>,
      %get3A_325 = vector.shape_cast %get3A_324 : vector<1x16xf32> to vector<16xf32>
      %get3A_326 = arith.constant 0 : i32
      %get3A_327 = arith.index_cast %get3A_326 : i32 to index
      %get3A_328 = arith.index_cast %add3A_320 : i32 to index
      %get3A_329 = tpu.vector_load %arg6[%get3A_327, %get3A_328] {strides = array<i32>} : memref<2x16384xf32, #tpu.memory_space<vmem>>, vector<1x16xf32>,
      %get3A_330 = vector.shape_cast %get3A_329 : vector<1x16xf32> to vector<16xf32>
      %add3A_331 = arith.addf %get3A_325, %get3A_330 : vector<16xf32>
      %swap3A_332 = arith.constant 0 : i32
      %swap3A_333 = arith.index_cast %swap3A_332 : i32 to index
      %swap3A_334 = arith.index_cast %add3A_320 : i32 to index
      %swap3A_335 = tpu.vector_load %arg7[%swap3A_333, %swap3A_334] {strides = array<i32>} : memref<2x16384xf32, #tpu.memory_space<vmem>>, vector<1x16xf32>,
      %swap3A_336 = vector.shape_cast %swap3A_335 : vector<1x16xf32> to vector<16xf32>
      %swap3A_337 = vector.shape_cast %add3A_331 : vector<16xf32> to vector<1x16xf32>
      tpu.vector_store %arg7[%swap3A_333, %swap3A_334], %swap3A_337 {strides = array<i32>} : memref<2x16384xf32, #tpu.memory_space<vmem>>, vector<1x16xf32>,
    }
    %scan3A_84 = arith.constant 128 : i32
    %mul3A_85 = arith.constant 16384 : i32
    %mul3A_86 = arith.muli %mul3A_52, %mul3A_85 : i32
    %add3A_87 = arith.addi %mul3A_2, %mul3A_86 : i32
    %dma_start3A_88 = arith.constant 0 : i32
    %dma_start3A_89 = arith.constant 0 : i32
    %dma_start3A_90 = tpu.memref_slice %arg7[%dma_start3A_88, %dma_start3A_89] : memref<2x16384xf32, #tpu.memory_space<vmem>> -> memref<1x16384xf32, #tpu.memory_space<vmem>>
    %dma_start3A_91 = tpu.memref_squeeze %dma_start3A_90 : memref<1x16384xf32, #tpu.memory_space<vmem>> -> memref<16384xf32, #tpu.memory_space<vmem>>
    %dma_start3A_92 = tpu.memref_slice %arg4[%add3A_87] : memref<1048576xf32, #tpu.memory_space<hbm>> -> memref<16384xf32, #tpu.memory_space<hbm>>
    %dma_start3A_93 = tpu.memref_slice %arg4[%add3A_87] : memref<1048576xf32, #tpu.memory_space<hbm>> -> memref<16384xf32, #tpu.memory_space<hbm>>
    %dma_start3A_94 = arith.constant 0 : i32
    %dma_start3A_95 = tpu.memref_slice %arg7[%dma_start3A_88, %dma_start3A_94] : memref<2x16384xf32, #tpu.memory_space<vmem>> -> memref<1x16384xf32, #tpu.memory_space<vmem>>
    %dma_start3A_96 = tpu.memref_squeeze %dma_start3A_95 : memref<1x16384xf32, #tpu.memory_space<vmem>> -> memref<16384xf32, #tpu.memory_space<vmem>>
    tpu.enqueue_dma source(%dma_start3A_96 : memref<16384xf32, #tpu.memory_space<vmem>>) target(%dma_start3A_93 : memref<16384xf32, #tpu.memory_space<hbm>>) target_semaphore(%arg9 : memref<!tpu.dma_semaphore, #tpu.memory_space<semaphore_mem>>)
    %add3A_97 = arith.constant 2 : i32
    %add3A_98 = arith.addi %mul3A_52, %add3A_97 : i32
    %lt3A = arith.constant 2 : i32
    %lt3A_99 = arith.cmpi slt, %add3A_98, %lt3A : i32
    %convert_element_type3A_100 = arith.extui %lt3A_99 : i1 to i32
    %cond3A_101 = arith.constant 0 : i32
    %cond3A_102 = arith.cmpi ne, %convert_element_type3A_100, %cond3A_101 : i32
    scf.if %cond3A_102 {
      %add3A_185 = arith.constant 2 : i32
      %add3A_186 = arith.addi %mul3A_52, %add3A_185 : i32
      %mul3A_187 = arith.constant 16384 : i32
      %mul3A_188 = arith.muli %add3A_186, %mul3A_187 : i32
      %add3A_189 = arith.addi %mul3A_2, %mul3A_188 : i32
      %add3A_190 = arith.constant 7340032 : i32
      %add3A_191 = arith.addi %add3A_190, %add3A_189 : i32
      %add3A_192 = arith.constant 1048576 : i32
      %add3A_193 = arith.addi %add3A_192, %add3A_189 : i32
      %dma_start3A_194 = arith.constant 0 : i32
      %dma_start3A_195 = arith.constant 0 : i32
      %dma_start3A_196 = tpu.memref_slice %arg5[%dma_start3A_194, %dma_start3A_195] : memref<2x16384xf32, #tpu.memory_space<vmem>> -> memref<1x16384xf32, #tpu.memory_space<vmem>>
      %dma_start3A_197 = tpu.memref_squeeze %dma_start3A_196 : memref<1x16384xf32, #tpu.memory_space<vmem>> -> memref<16384xf32, #tpu.memory_space<vmem>>
      %dma_start3A_198 = tpu.memref_slice %arg2[%add3A_191] : memref<8388608xf32, #tpu.memory_space<hbm>> -> memref<16384xf32, #tpu.memory_space<hbm>>
      %dma_start3A_199 = arith.constant 0 : i32
      %dma_start3A_200 = tpu.memref_slice %arg5[%dma_start3A_194, %dma_start3A_199] : memref<2x16384xf32, #tpu.memory_space<vmem>> -> memref<1x16384xf32, #tpu.memory_space<vmem>>
      %dma_start3A_201 = tpu.memref_squeeze %dma_start3A_200 : memref<1x16384xf32, #tpu.memory_space<vmem>> -> memref<16384xf32, #tpu.memory_space<vmem>>
      %dma_start3A_202 = tpu.memref_slice %arg2[%add3A_191] : memref<8388608xf32, #tpu.memory_space<hbm>> -> memref<16384xf32, #tpu.memory_space<hbm>>
      tpu.enqueue_dma source(%dma_start3A_202 : memref<16384xf32, #tpu.memory_space<hbm>>) target(%dma_start3A_201 : memref<16384xf32, #tpu.memory_space<vmem>>) target_semaphore(%arg8 : memref<!tpu.dma_semaphore, #tpu.memory_space<semaphore_mem>>)
      %dma_start3A_203 = arith.constant 0 : i32
      %dma_start3A_204 = arith.constant 0 : i32
      %dma_start3A_205 = tpu.memref_slice %arg6[%dma_start3A_203, %dma_start3A_204] : memref<2x16384xf32, #tpu.memory_space<vmem>> -> memref<1x16384xf32, #tpu.memory_space<vmem>>
      %dma_start3A_206 = tpu.memref_squeeze %dma_start3A_205 : memref<1x16384xf32, #tpu.memory_space<vmem>> -> memref<16384xf32, #tpu.memory_space<vmem>>
      %dma_start3A_207 = tpu.memref_slice %arg3[%add3A_193] : memref<2097152xf32, #tpu.memory_space<hbm>> -> memref<16384xf32, #tpu.memory_space<hbm>>
      %dma_start3A_208 = arith.constant 0 : i32
      %dma_start3A_209 = tpu.memref_slice %arg6[%dma_start3A_203, %dma_start3A_208] : memref<2x16384xf32, #tpu.memory_space<vmem>> -> memref<1x16384xf32, #tpu.memory_space<vmem>>
      %dma_start3A_210 = tpu.memref_squeeze %dma_start3A_209 : memref<1x16384xf32, #tpu.memory_space<vmem>> -> memref<16384xf32, #tpu.memory_space<vmem>>
      %dma_start3A_211 = tpu.memref_slice %arg3[%add3A_193] : memref<2097152xf32, #tpu.memory_space<hbm>> -> memref<16384xf32, #tpu.memory_space<hbm>>
      tpu.enqueue_dma source(%dma_start3A_211 : memref<16384xf32, #tpu.memory_space<hbm>>) target(%dma_start3A_210 : memref<16384xf32, #tpu.memory_space<vmem>>) target_semaphore(%arg8 : memref<!tpu.dma_semaphore, #tpu.memory_space<semaphore_mem>>)
    } else {
    }
    %mul3A_103 = arith.constant 2 : i32
    %mul3A_104 = arith.muli %mul3A_103, %scan3A_50 : i32
    %add3A_105 = arith.constant 1 : i32
    %add3A_106 = arith.addi %mul3A_104, %add3A_105 : i32
    %ge3A_107 = arith.constant 2 : i32
    %ge3A_108 = arith.cmpi sge, %add3A_106, %ge3A_107 : i32
    %convert_element_type3A_109 = arith.extui %ge3A_108 : i1 to i32
    %cond3A_110 = arith.constant 0 : i32
    %cond3A_111 = arith.cmpi ne, %convert_element_type3A_109, %cond3A_110 : i32
    scf.if %cond3A_111 {
      %sub3A = arith.constant 2 : i32
      %sub3A_185 = arith.subi %add3A_106, %sub3A : i32
      %mul3A_186 = arith.constant 16384 : i32
      %mul3A_187 = arith.muli %sub3A_185, %mul3A_186 : i32
      %add3A_188 = arith.addi %mul3A_2, %mul3A_187 : i32
      %dma_wait3A_189 = arith.constant 1 : i32
      %dma_wait3A_190 = arith.constant 0 : i32
      %dma_wait3A_191 = tpu.memref_slice %arg7[%dma_wait3A_189, %dma_wait3A_190] : memref<2x16384xf32, #tpu.memory_space<vmem>> -> memref<1x16384xf32, #tpu.memory_space<vmem>>
      %dma_wait3A_192 = tpu.memref_squeeze %dma_wait3A_191 : memref<1x16384xf32, #tpu.memory_space<vmem>> -> memref<16384xf32, #tpu.memory_space<vmem>>
      %dma_wait3A_193 = tpu.memref_slice %arg4[%add3A_188] : memref<1048576xf32, #tpu.memory_space<hbm>> -> memref<16384xf32, #tpu.memory_space<hbm>>
      %dma_wait3A_194 = tpu.memref_slice %arg4[%add3A_188] : memref<1048576xf32, #tpu.memory_space<hbm>> -> memref<16384xf32, #tpu.memory_space<hbm>>
      %dma_wait3A_195 = arith.constant 0 : i32
      %dma_wait3A_196 = tpu.memref_slice %arg7[%dma_wait3A_189, %dma_wait3A_195] : memref<2x16384xf32, #tpu.memory_space<vmem>> -> memref<1x16384xf32, #tpu.memory_space<vmem>>
      %dma_wait3A_197 = tpu.memref_squeeze %dma_wait3A_196 : memref<1x16384xf32, #tpu.memory_space<vmem>> -> memref<16384xf32, #tpu.memory_space<vmem>>
      tpu.wait_dma2 semaphore(%arg9 : memref<!tpu.dma_semaphore, #tpu.memory_space<semaphore_mem>>) src(%dma_wait3A_197 : memref<16384xf32, #tpu.memory_space<vmem>>) dst(%dma_wait3A_194 : memref<16384xf32, #tpu.memory_space<hbm>>)
    } else {
    }
    %mul3A_112 = arith.constant 16384 : i32
    %mul3A_113 = arith.muli %add3A_106, %mul3A_112 : i32
    %add3A_114 = arith.addi %mul3A_2, %mul3A_113 : i32
    %add3A_115 = arith.constant 7340032 : i32
    %add3A_116 = arith.addi %add3A_115, %add3A_114 : i32
    %add3A_117 = arith.constant 1048576 : i32
    %add3A_118 = arith.addi %add3A_117, %add3A_114 : i32
    %dma_wait3A_119 = arith.constant 1 : i32
    %dma_wait3A_120 = arith.constant 0 : i32
    %dma_wait3A_121 = tpu.memref_slice %arg5[%dma_wait3A_119, %dma_wait3A_120] : memref<2x16384xf32, #tpu.memory_space<vmem>> -> memref<1x16384xf32, #tpu.memory_space<vmem>>
    %dma_wait3A_122 = tpu.memref_squeeze %dma_wait3A_121 : memref<1x16384xf32, #tpu.memory_space<vmem>> -> memref<16384xf32, #tpu.memory_space<vmem>>
    %dma_wait3A_123 = tpu.memref_slice %arg2[%add3A_116] : memref<8388608xf32, #tpu.memory_space<hbm>> -> memref<16384xf32, #tpu.memory_space<hbm>>
    %dma_wait3A_124 = arith.constant 0 : i32
    %dma_wait3A_125 = tpu.memref_slice %arg5[%dma_wait3A_119, %dma_wait3A_124] : memref<2x16384xf32, #tpu.memory_space<vmem>> -> memref<1x16384xf32, #tpu.memory_space<vmem>>
    %dma_wait3A_126 = tpu.memref_squeeze %dma_wait3A_125 : memref<1x16384xf32, #tpu.memory_space<vmem>> -> memref<16384xf32, #tpu.memory_space<vmem>>
    %dma_wait3A_127 = tpu.memref_slice %arg2[%add3A_116] : memref<8388608xf32, #tpu.memory_space<hbm>> -> memref<16384xf32, #tpu.memory_space<hbm>>
    tpu.wait_dma2 semaphore(%arg8 : memref<!tpu.dma_semaphore, #tpu.memory_space<semaphore_mem>>) src(%dma_wait3A_127 : memref<16384xf32, #tpu.memory_space<hbm>>) dst(%dma_wait3A_126 : memref<16384xf32, #tpu.memory_space<vmem>>)
    %dma_wait3A_128 = arith.constant 1 : i32
    %dma_wait3A_129 = arith.constant 0 : i32
    %dma_wait3A_130 = tpu.memref_slice %arg6[%dma_wait3A_128, %dma_wait3A_129] : memref<2x16384xf32, #tpu.memory_space<vmem>> -> memref<1x16384xf32, #tpu.memory_space<vmem>>
    %dma_wait3A_131 = tpu.memref_squeeze %dma_wait3A_130 : memref<1x16384xf32, #tpu.memory_space<vmem>> -> memref<16384xf32, #tpu.memory_space<vmem>>
    %dma_wait3A_132 = tpu.memref_slice %arg3[%add3A_118] : memref<2097152xf32, #tpu.memory_space<hbm>> -> memref<16384xf32, #tpu.memory_space<hbm>>
    %dma_wait3A_133 = arith.constant 0 : i32
    %dma_wait3A_134 = tpu.memref_slice %arg6[%dma_wait3A_128, %dma_wait3A_133] : memref<2x16384xf32, #tpu.memory_space<vmem>> -> memref<1x16384xf32, #tpu.memory_space<vmem>>
    %dma_wait3A_135 = tpu.memref_squeeze %dma_wait3A_134 : memref<1x16384xf32, #tpu.memory_space<vmem>> -> memref<16384xf32, #tpu.memory_space<vmem>>
    %dma_wait3A_136 = tpu.memref_slice %arg3[%add3A_118] : memref<2097152xf32, #tpu.memory_space<hbm>> -> memref<16384xf32, #tpu.memory_space<hbm>>
    tpu.wait_dma2 semaphore(%arg8 : memref<!tpu.dma_semaphore, #tpu.memory_space<semaphore_mem>>) src(%dma_wait3A_136 : memref<16384xf32, #tpu.memory_space<hbm>>) dst(%dma_wait3A_135 : memref<16384xf32, #tpu.memory_space<vmem>>)
    %scan3A_137 = arith.constant 0 : i32
    %scan3A_138 = arith.constant 0 : i32
    %scan3A_139 = arith.constant 128 : i32
    %scan3A_140 = arith.addi %scan3A_138, %scan3A_139 : i32
    %scan3A_141 = arith.constant 1 : i32
    scf.for %scan3A_185 = %scan3A_138 to %scan3A_140 step %scan3A_141  : i32 {
      %mul3A_186 = arith.constant 128 : i32
      %mul3A_187 = arith.muli %scan3A_185, %mul3A_186 : i32
      %add3A_188 = arith.constant 0 : i32
      %add3A_189 = arith.addi %mul3A_187, %add3A_188 : i32
      %get3A = arith.constant 1 : i32
      %get3A_190 = arith.index_cast %get3A : i32 to index
      %get3A_191 = arith.index_cast %add3A_189 : i32 to index
      %get3A_192 = tpu.vector_load %arg5[%get3A_190, %get3A_191] {strides = array<i32>} : memref<2x16384xf32, #tpu.memory_space<vmem>>, vector<1x16xf32>,
      %get3A_193 = vector.shape_cast %get3A_192 : vector<1x16xf32> to vector<16xf32>
      %get3A_194 = arith.constant 1 : i32
      %get3A_195 = arith.index_cast %get3A_194 : i32 to index
      %get3A_196 = arith.index_cast %add3A_189 : i32 to index
      %get3A_197 = tpu.vector_load %arg6[%get3A_195, %get3A_196] {strides = array<i32>} : memref<2x16384xf32, #tpu.memory_space<vmem>>, vector<1x16xf32>,
      %get3A_198 = vector.shape_cast %get3A_197 : vector<1x16xf32> to vector<16xf32>
      %add3A_199 = arith.addf %get3A_193, %get3A_198 : vector<16xf32>
      %swap3A = arith.constant 1 : i32
      %swap3A_200 = arith.index_cast %swap3A : i32 to index
      %swap3A_201 = arith.index_cast %add3A_189 : i32 to index
      %swap3A_202 = tpu.vector_load %arg7[%swap3A_200, %swap3A_201] {strides = array<i32>} : memref<2x16384xf32, #tpu.memory_space<vmem>>, vector<1x16xf32>,
      %swap3A_203 = vector.shape_cast %swap3A_202 : vector<1x16xf32> to vector<16xf32>
      %swap3A_204 = vector.shape_cast %add3A_199 : vector<16xf32> to vector<1x16xf32>
      tpu.vector_store %arg7[%swap3A_200, %swap3A_201], %swap3A_204 {strides = array<i32>} : memref<2x16384xf32, #tpu.memory_space<vmem>>, vector<1x16xf32>,
      %add3A_205 = arith.constant 16 : i32
      %add3A_206 = arith.addi %mul3A_187, %add3A_205 : i32
      %get3A_207 = arith.constant 1 : i32
      %get3A_208 = arith.index_cast %get3A_207 : i32 to index
      %get3A_209 = arith.index_cast %add3A_206 : i32 to index
      %get3A_210 = tpu.vector_load %arg5[%get3A_208, %get3A_209] {strides = array<i32>} : memref<2x16384xf32, #tpu.memory_space<vmem>>, vector<1x16xf32>,
      %get3A_211 = vector.shape_cast %get3A_210 : vector<1x16xf32> to vector<16xf32>
      %get3A_212 = arith.constant 1 : i32
      %get3A_213 = arith.index_cast %get3A_212 : i32 to index
      %get3A_214 = arith.index_cast %add3A_206 : i32 to index
      %get3A_215 = tpu.vector_load %arg6[%get3A_213, %get3A_214] {strides = array<i32>} : memref<2x16384xf32, #tpu.memory_space<vmem>>, vector<1x16xf32>,
      %get3A_216 = vector.shape_cast %get3A_215 : vector<1x16xf32> to vector<16xf32>
      %add3A_217 = arith.addf %get3A_211, %get3A_216 : vector<16xf32>
      %swap3A_218 = arith.constant 1 : i32
      %swap3A_219 = arith.index_cast %swap3A_218 : i32 to index
      %swap3A_220 = arith.index_cast %add3A_206 : i32 to index
      %swap3A_221 = tpu.vector_load %arg7[%swap3A_219, %swap3A_220] {strides = array<i32>} : memref<2x16384xf32, #tpu.memory_space<vmem>>, vector<1x16xf32>,
      %swap3A_222 = vector.shape_cast %swap3A_221 : vector<1x16xf32> to vector<16xf32>
      %swap3A_223 = vector.shape_cast %add3A_217 : vector<16xf32> to vector<1x16xf32>
      tpu.vector_store %arg7[%swap3A_219, %swap3A_220], %swap3A_223 {strides = array<i32>} : memref<2x16384xf32, #tpu.memory_space<vmem>>, vector<1x16xf32>,
      %add3A_224 = arith.constant 32 : i32
      %add3A_225 = arith.addi %mul3A_187, %add3A_224 : i32
      %get3A_226 = arith.constant 1 : i32
      %get3A_227 = arith.index_cast %get3A_226 : i32 to index
      %get3A_228 = arith.index_cast %add3A_225 : i32 to index
      %get3A_229 = tpu.vector_load %arg5[%get3A_227, %get3A_228] {strides = array<i32>} : memref<2x16384xf32, #tpu.memory_space<vmem>>, vector<1x16xf32>,
      %get3A_230 = vector.shape_cast %get3A_229 : vector<1x16xf32> to vector<16xf32>
      %get3A_231 = arith.constant 1 : i32
      %get3A_232 = arith.index_cast %get3A_231 : i32 to index
      %get3A_233 = arith.index_cast %add3A_225 : i32 to index
      %get3A_234 = tpu.vector_load %arg6[%get3A_232, %get3A_233] {strides = array<i32>} : memref<2x16384xf32, #tpu.memory_space<vmem>>, vector<1x16xf32>,
      %get3A_235 = vector.shape_cast %get3A_234 : vector<1x16xf32> to vector<16xf32>
      %add3A_236 = arith.addf %get3A_230, %get3A_235 : vector<16xf32>
      %swap3A_237 = arith.constant 1 : i32
      %swap3A_238 = arith.index_cast %swap3A_237 : i32 to index
      %swap3A_239 = arith.index_cast %add3A_225 : i32 to index
      %swap3A_240 = tpu.vector_load %arg7[%swap3A_238, %swap3A_239] {strides = array<i32>} : memref<2x16384xf32, #tpu.memory_space<vmem>>, vector<1x16xf32>,
      %swap3A_241 = vector.shape_cast %swap3A_240 : vector<1x16xf32> to vector<16xf32>
      %swap3A_242 = vector.shape_cast %add3A_236 : vector<16xf32> to vector<1x16xf32>
      tpu.vector_store %arg7[%swap3A_238, %swap3A_239], %swap3A_242 {strides = array<i32>} : memref<2x16384xf32, #tpu.memory_space<vmem>>, vector<1x16xf32>,
      %add3A_243 = arith.constant 48 : i32
      %add3A_244 = arith.addi %mul3A_187, %add3A_243 : i32
      %get3A_245 = arith.constant 1 : i32
      %get3A_246 = arith.index_cast %get3A_245 : i32 to index
      %get3A_247 = arith.index_cast %add3A_244 : i32 to index
      %get3A_248 = tpu.vector_load %arg5[%get3A_246, %get3A_247] {strides = array<i32>} : memref<2x16384xf32, #tpu.memory_space<vmem>>, vector<1x16xf32>,
      %get3A_249 = vector.shape_cast %get3A_248 : vector<1x16xf32> to vector<16xf32>
      %get3A_250 = arith.constant 1 : i32
      %get3A_251 = arith.index_cast %get3A_250 : i32 to index
      %get3A_252 = arith.index_cast %add3A_244 : i32 to index
      %get3A_253 = tpu.vector_load %arg6[%get3A_251, %get3A_252] {strides = array<i32>} : memref<2x16384xf32, #tpu.memory_space<vmem>>, vector<1x16xf32>,
      %get3A_254 = vector.shape_cast %get3A_253 : vector<1x16xf32> to vector<16xf32>
      %add3A_255 = arith.addf %get3A_249, %get3A_254 : vector<16xf32>
      %swap3A_256 = arith.constant 1 : i32
      %swap3A_257 = arith.index_cast %swap3A_256 : i32 to index
      %swap3A_258 = arith.index_cast %add3A_244 : i32 to index
      %swap3A_259 = tpu.vector_load %arg7[%swap3A_257, %swap3A_258] {strides = array<i32>} : memref<2x16384xf32, #tpu.memory_space<vmem>>, vector<1x16xf32>,
      %swap3A_260 = vector.shape_cast %swap3A_259 : vector<1x16xf32> to vector<16xf32>
      %swap3A_261 = vector.shape_cast %add3A_255 : vector<16xf32> to vector<1x16xf32>
      tpu.vector_store %arg7[%swap3A_257, %swap3A_258], %swap3A_261 {strides = array<i32>} : memref<2x16384xf32, #tpu.memory_space<vmem>>, vector<1x16xf32>,
      %add3A_262 = arith.constant 64 : i32
      %add3A_263 = arith.addi %mul3A_187, %add3A_262 : i32
      %get3A_264 = arith.constant 1 : i32
      %get3A_265 = arith.index_cast %get3A_264 : i32 to index
      %get3A_266 = arith.index_cast %add3A_263 : i32 to index
      %get3A_267 = tpu.vector_load %arg5[%get3A_265, %get3A_266] {strides = array<i32>} : memref<2x16384xf32, #tpu.memory_space<vmem>>, vector<1x16xf32>,
      %get3A_268 = vector.shape_cast %get3A_267 : vector<1x16xf32> to vector<16xf32>
      %get3A_269 = arith.constant 1 : i32
      %get3A_270 = arith.index_cast %get3A_269 : i32 to index
      %get3A_271 = arith.index_cast %add3A_263 : i32 to index
      %get3A_272 = tpu.vector_load %arg6[%get3A_270, %get3A_271] {strides = array<i32>} : memref<2x16384xf32, #tpu.memory_space<vmem>>, vector<1x16xf32>,
      %get3A_273 = vector.shape_cast %get3A_272 : vector<1x16xf32> to vector<16xf32>
      %add3A_274 = arith.addf %get3A_268, %get3A_273 : vector<16xf32>
      %swap3A_275 = arith.constant 1 : i32
      %swap3A_276 = arith.index_cast %swap3A_275 : i32 to index
      %swap3A_277 = arith.index_cast %add3A_263 : i32 to index
      %swap3A_278 = tpu.vector_load %arg7[%swap3A_276, %swap3A_277] {strides = array<i32>} : memref<2x16384xf32, #tpu.memory_space<vmem>>, vector<1x16xf32>,
      %swap3A_279 = vector.shape_cast %swap3A_278 : vector<1x16xf32> to vector<16xf32>
      %swap3A_280 = vector.shape_cast %add3A_274 : vector<16xf32> to vector<1x16xf32>
      tpu.vector_store %arg7[%swap3A_276, %swap3A_277], %swap3A_280 {strides = array<i32>} : memref<2x16384xf32, #tpu.memory_space<vmem>>, vector<1x16xf32>,
      %add3A_281 = arith.constant 80 : i32
      %add3A_282 = arith.addi %mul3A_187, %add3A_281 : i32
      %get3A_283 = arith.constant 1 : i32
      %get3A_284 = arith.index_cast %get3A_283 : i32 to index
      %get3A_285 = arith.index_cast %add3A_282 : i32 to index
      %get3A_286 = tpu.vector_load %arg5[%get3A_284, %get3A_285] {strides = array<i32>} : memref<2x16384xf32, #tpu.memory_space<vmem>>, vector<1x16xf32>,
      %get3A_287 = vector.shape_cast %get3A_286 : vector<1x16xf32> to vector<16xf32>
      %get3A_288 = arith.constant 1 : i32
      %get3A_289 = arith.index_cast %get3A_288 : i32 to index
      %get3A_290 = arith.index_cast %add3A_282 : i32 to index
      %get3A_291 = tpu.vector_load %arg6[%get3A_289, %get3A_290] {strides = array<i32>} : memref<2x16384xf32, #tpu.memory_space<vmem>>, vector<1x16xf32>,
      %get3A_292 = vector.shape_cast %get3A_291 : vector<1x16xf32> to vector<16xf32>
      %add3A_293 = arith.addf %get3A_287, %get3A_292 : vector<16xf32>
      %swap3A_294 = arith.constant 1 : i32
      %swap3A_295 = arith.index_cast %swap3A_294 : i32 to index
      %swap3A_296 = arith.index_cast %add3A_282 : i32 to index
      %swap3A_297 = tpu.vector_load %arg7[%swap3A_295, %swap3A_296] {strides = array<i32>} : memref<2x16384xf32, #tpu.memory_space<vmem>>, vector<1x16xf32>,
      %swap3A_298 = vector.shape_cast %swap3A_297 : vector<1x16xf32> to vector<16xf32>
      %swap3A_299 = vector.shape_cast %add3A_293 : vector<16xf32> to vector<1x16xf32>
      tpu.vector_store %arg7[%swap3A_295, %swap3A_296], %swap3A_299 {strides = array<i32>} : memref<2x16384xf32, #tpu.memory_space<vmem>>, vector<1x16xf32>,
      %add3A_300 = arith.constant 96 : i32
      %add3A_301 = arith.addi %mul3A_187, %add3A_300 : i32
      %get3A_302 = arith.constant 1 : i32
      %get3A_303 = arith.index_cast %get3A_302 : i32 to index
      %get3A_304 = arith.index_cast %add3A_301 : i32 to index
      %get3A_305 = tpu.vector_load %arg5[%get3A_303, %get3A_304] {strides = array<i32>} : memref<2x16384xf32, #tpu.memory_space<vmem>>, vector<1x16xf32>,
      %get3A_306 = vector.shape_cast %get3A_305 : vector<1x16xf32> to vector<16xf32>
      %get3A_307 = arith.constant 1 : i32
      %get3A_308 = arith.index_cast %get3A_307 : i32 to index
      %get3A_309 = arith.index_cast %add3A_301 : i32 to index
      %get3A_310 = tpu.vector_load %arg6[%get3A_308, %get3A_309] {strides = array<i32>} : memref<2x16384xf32, #tpu.memory_space<vmem>>, vector<1x16xf32>,
      %get3A_311 = vector.shape_cast %get3A_310 : vector<1x16xf32> to vector<16xf32>
      %add3A_312 = arith.addf %get3A_306, %get3A_311 : vector<16xf32>
      %swap3A_313 = arith.constant 1 : i32
      %swap3A_314 = arith.index_cast %swap3A_313 : i32 to index
      %swap3A_315 = arith.index_cast %add3A_301 : i32 to index
      %swap3A_316 = tpu.vector_load %arg7[%swap3A_314, %swap3A_315] {strides = array<i32>} : memref<2x16384xf32, #tpu.memory_space<vmem>>, vector<1x16xf32>,
      %swap3A_317 = vector.shape_cast %swap3A_316 : vector<1x16xf32> to vector<16xf32>
      %swap3A_318 = vector.shape_cast %add3A_312 : vector<16xf32> to vector<1x16xf32>
      tpu.vector_store %arg7[%swap3A_314, %swap3A_315], %swap3A_318 {strides = array<i32>} : memref<2x16384xf32, #tpu.memory_space<vmem>>, vector<1x16xf32>,
      %add3A_319 = arith.constant 112 : i32
      %add3A_320 = arith.addi %mul3A_187, %add3A_319 : i32
      %get3A_321 = arith.constant 1 : i32
      %get3A_322 = arith.index_cast %get3A_321 : i32 to index
      %get3A_323 = arith.index_cast %add3A_320 : i32 to index
      %get3A_324 = tpu.vector_load %arg5[%get3A_322, %get3A_323] {strides = array<i32>} : memref<2x16384xf32, #tpu.memory_space<vmem>>, vector<1x16xf32>,
      %get3A_325 = vector.shape_cast %get3A_324 : vector<1x16xf32> to vector<16xf32>
      %get3A_326 = arith.constant 1 : i32
      %get3A_327 = arith.index_cast %get3A_326 : i32 to index
      %get3A_328 = arith.index_cast %add3A_320 : i32 to index
      %get3A_329 = tpu.vector_load %arg6[%get3A_327, %get3A_328] {strides = array<i32>} : memref<2x16384xf32, #tpu.memory_space<vmem>>, vector<1x16xf32>,
      %get3A_330 = vector.shape_cast %get3A_329 : vector<1x16xf32> to vector<16xf32>
      %add3A_331 = arith.addf %get3A_325, %get3A_330 : vector<16xf32>
      %swap3A_332 = arith.constant 1 : i32
      %swap3A_333 = arith.index_cast %swap3A_332 : i32 to index
      %swap3A_334 = arith.index_cast %add3A_320 : i32 to index
      %swap3A_335 = tpu.vector_load %arg7[%swap3A_333, %swap3A_334] {strides = array<i32>} : memref<2x16384xf32, #tpu.memory_space<vmem>>, vector<1x16xf32>,
      %swap3A_336 = vector.shape_cast %swap3A_335 : vector<1x16xf32> to vector<16xf32>
      %swap3A_337 = vector.shape_cast %add3A_331 : vector<16xf32> to vector<1x16xf32>
      tpu.vector_store %arg7[%swap3A_333, %swap3A_334], %swap3A_337 {strides = array<i32>} : memref<2x16384xf32, #tpu.memory_space<vmem>>, vector<1x16xf32>,
    }
    %scan3A_142 = arith.constant 128 : i32
    %mul3A_143 = arith.constant 16384 : i32
    %mul3A_144 = arith.muli %add3A_106, %mul3A_143 : i32
    %add3A_145 = arith.addi %mul3A_2, %mul3A_144 : i32
    %dma_start3A_146 = arith.constant 1 : i32
    %dma_start3A_147 = arith.constant 0 : i32
    %dma_start3A_148 = tpu.memref_slice %arg7[%dma_start3A_146, %dma_start3A_147] : memref<2x16384xf32, #tpu.memory_space<vmem>> -> memref<1x16384xf32, #tpu.memory_space<vmem>>
    %dma_start3A_149 = tpu.memref_squeeze %dma_start3A_148 : memref<1x16384xf32, #tpu.memory_space<vmem>> -> memref<16384xf32, #tpu.memory_space<vmem>>
    %dma_start3A_150 = tpu.memref_slice %arg4[%add3A_145] : memref<1048576xf32, #tpu.memory_space<hbm>> -> memref<16384xf32, #tpu.memory_space<hbm>>
    %dma_start3A_151 = tpu.memref_slice %arg4[%add3A_145] : memref<1048576xf32, #tpu.memory_space<hbm>> -> memref<16384xf32, #tpu.memory_space<hbm>>
    %dma_start3A_152 = arith.constant 0 : i32
    %dma_start3A_153 = tpu.memref_slice %arg7[%dma_start3A_146, %dma_start3A_152] : memref<2x16384xf32, #tpu.memory_space<vmem>> -> memref<1x16384xf32, #tpu.memory_space<vmem>>
    %dma_start3A_154 = tpu.memref_squeeze %dma_start3A_153 : memref<1x16384xf32, #tpu.memory_space<vmem>> -> memref<16384xf32, #tpu.memory_space<vmem>>
    tpu.enqueue_dma source(%dma_start3A_154 : memref<16384xf32, #tpu.memory_space<vmem>>) target(%dma_start3A_151 : memref<16384xf32, #tpu.memory_space<hbm>>) target_semaphore(%arg9 : memref<!tpu.dma_semaphore, #tpu.memory_space<semaphore_mem>>)
    %add3A_155 = arith.constant 2 : i32
    %add3A_156 = arith.addi %add3A_106, %add3A_155 : i32
    %lt3A_157 = arith.constant 2 : i32
    %lt3A_158 = arith.cmpi slt, %add3A_156, %lt3A_157 : i32
    %convert_element_type3A_159 = arith.extui %lt3A_158 : i1 to i32
    %cond3A_160 = arith.constant 0 : i32
    %cond3A_161 = arith.cmpi ne, %convert_element_type3A_159, %cond3A_160 : i32
    scf.if %cond3A_161 {
      %add3A_185 = arith.constant 2 : i32
      %add3A_186 = arith.addi %add3A_106, %add3A_185 : i32
      %mul3A_187 = arith.constant 16384 : i32
      %mul3A_188 = arith.muli %add3A_186, %mul3A_187 : i32
      %add3A_189 = arith.addi %mul3A_2, %mul3A_188 : i32
      %add3A_190 = arith.constant 7340032 : i32
      %add3A_191 = arith.addi %add3A_190, %add3A_189 : i32
      %add3A_192 = arith.constant 1048576 : i32
      %add3A_193 = arith.addi %add3A_192, %add3A_189 : i32
      %dma_start3A_194 = arith.constant 1 : i32
      %dma_start3A_195 = arith.constant 0 : i32
      %dma_start3A_196 = tpu.memref_slice %arg5[%dma_start3A_194, %dma_start3A_195] : memref<2x16384xf32, #tpu.memory_space<vmem>> -> memref<1x16384xf32, #tpu.memory_space<vmem>>
      %dma_start3A_197 = tpu.memref_squeeze %dma_start3A_196 : memref<1x16384xf32, #tpu.memory_space<vmem>> -> memref<16384xf32, #tpu.memory_space<vmem>>
      %dma_start3A_198 = tpu.memref_slice %arg2[%add3A_191] : memref<8388608xf32, #tpu.memory_space<hbm>> -> memref<16384xf32, #tpu.memory_space<hbm>>
      %dma_start3A_199 = arith.constant 0 : i32
      %dma_start3A_200 = tpu.memref_slice %arg5[%dma_start3A_194, %dma_start3A_199] : memref<2x16384xf32, #tpu.memory_space<vmem>> -> memref<1x16384xf32, #tpu.memory_space<vmem>>
      %dma_start3A_201 = tpu.memref_squeeze %dma_start3A_200 : memref<1x16384xf32, #tpu.memory_space<vmem>> -> memref<16384xf32, #tpu.memory_space<vmem>>
      %dma_start3A_202 = tpu.memref_slice %arg2[%add3A_191] : memref<8388608xf32, #tpu.memory_space<hbm>> -> memref<16384xf32, #tpu.memory_space<hbm>>
      tpu.enqueue_dma source(%dma_start3A_202 : memref<16384xf32, #tpu.memory_space<hbm>>) target(%dma_start3A_201 : memref<16384xf32, #tpu.memory_space<vmem>>) target_semaphore(%arg8 : memref<!tpu.dma_semaphore, #tpu.memory_space<semaphore_mem>>)
      %dma_start3A_203 = arith.constant 1 : i32
      %dma_start3A_204 = arith.constant 0 : i32
      %dma_start3A_205 = tpu.memref_slice %arg6[%dma_start3A_203, %dma_start3A_204] : memref<2x16384xf32, #tpu.memory_space<vmem>> -> memref<1x16384xf32, #tpu.memory_space<vmem>>
      %dma_start3A_206 = tpu.memref_squeeze %dma_start3A_205 : memref<1x16384xf32, #tpu.memory_space<vmem>> -> memref<16384xf32, #tpu.memory_space<vmem>>
      %dma_start3A_207 = tpu.memref_slice %arg3[%add3A_193] : memref<2097152xf32, #tpu.memory_space<hbm>> -> memref<16384xf32, #tpu.memory_space<hbm>>
      %dma_start3A_208 = arith.constant 0 : i32
      %dma_start3A_209 = tpu.memref_slice %arg6[%dma_start3A_203, %dma_start3A_208] : memref<2x16384xf32, #tpu.memory_space<vmem>> -> memref<1x16384xf32, #tpu.memory_space<vmem>>
      %dma_start3A_210 = tpu.memref_squeeze %dma_start3A_209 : memref<1x16384xf32, #tpu.memory_space<vmem>> -> memref<16384xf32, #tpu.memory_space<vmem>>
      %dma_start3A_211 = tpu.memref_slice %arg3[%add3A_193] : memref<2097152xf32, #tpu.memory_space<hbm>> -> memref<16384xf32, #tpu.memory_space<hbm>>
      tpu.enqueue_dma source(%dma_start3A_211 : memref<16384xf32, #tpu.memory_space<hbm>>) target(%dma_start3A_210 : memref<16384xf32, #tpu.memory_space<vmem>>) target_semaphore(%arg8 : memref<!tpu.dma_semaphore, #tpu.memory_space<semaphore_mem>>)
    } else {
    }
    %scan3A_162 = arith.constant 1 : i32
    %add3A_163 = arith.constant 0 : i32
    %add3A_164 = arith.addi %mul3A_2, %add3A_163 : i32
    %dma_wait3A_165 = arith.constant 0 : i32
    %dma_wait3A_166 = arith.constant 0 : i32
    %dma_wait3A_167 = tpu.memref_slice %arg7[%dma_wait3A_165, %dma_wait3A_166] : memref<2x16384xf32, #tpu.memory_space<vmem>> -> memref<1x16384xf32, #tpu.memory_space<vmem>>
    %dma_wait3A_168 = tpu.memref_squeeze %dma_wait3A_167 : memref<1x16384xf32, #tpu.memory_space<vmem>> -> memref<16384xf32, #tpu.memory_space<vmem>>
    %dma_wait3A_169 = tpu.memref_slice %arg4[%add3A_164] : memref<1048576xf32, #tpu.memory_space<hbm>> -> memref<16384xf32, #tpu.memory_space<hbm>>
    %dma_wait3A_170 = tpu.memref_slice %arg4[%add3A_164] : memref<1048576xf32, #tpu.memory_space<hbm>> -> memref<16384xf32, #tpu.memory_space<hbm>>
    %dma_wait3A_171 = arith.constant 0 : i32
    %dma_wait3A_172 = tpu.memref_slice %arg7[%dma_wait3A_165, %dma_wait3A_171] : memref<2x16384xf32, #tpu.memory_space<vmem>> -> memref<1x16384xf32, #tpu.memory_space<vmem>>
    %dma_wait3A_173 = tpu.memref_squeeze %dma_wait3A_172 : memref<1x16384xf32, #tpu.memory_space<vmem>> -> memref<16384xf32, #tpu.memory_space<vmem>>
    tpu.wait_dma2 semaphore(%arg9 : memref<!tpu.dma_semaphore, #tpu.memory_space<semaphore_mem>>) src(%dma_wait3A_173 : memref<16384xf32, #tpu.memory_space<vmem>>) dst(%dma_wait3A_170 : memref<16384xf32, #tpu.memory_space<hbm>>)
    %add3A_174 = arith.constant 16384 : i32
    %add3A_175 = arith.addi %mul3A_2, %add3A_174 : i32
    %dma_wait3A_176 = arith.constant 1 : i32
    %dma_wait3A_177 = arith.constant 0 : i32
    %dma_wait3A_178 = tpu.memref_slice %arg7[%dma_wait3A_176, %dma_wait3A_177] : memref<2x16384xf32, #tpu.memory_space<vmem>> -> memref<1x16384xf32, #tpu.memory_space<vmem>>
    %dma_wait3A_179 = tpu.memref_squeeze %dma_wait3A_178 : memref<1x16384xf32, #tpu.memory_space<vmem>> -> memref<16384xf32, #tpu.memory_space<vmem>>
    %dma_wait3A_180 = tpu.memref_slice %arg4[%add3A_175] : memref<1048576xf32, #tpu.memory_space<hbm>> -> memref<16384xf32, #tpu.memory_space<hbm>>
    %dma_wait3A_181 = tpu.memref_slice %arg4[%add3A_175] : memref<1048576xf32, #tpu.memory_space<hbm>> -> memref<16384xf32, #tpu.memory_space<hbm>>
    %dma_wait3A_182 = arith.constant 0 : i32
    %dma_wait3A_183 = tpu.memref_slice %arg7[%dma_wait3A_176, %dma_wait3A_182] : memref<2x16384xf32, #tpu.memory_space<vmem>> -> memref<1x16384xf32, #tpu.memory_space<vmem>>
    %dma_wait3A_184 = tpu.memref_squeeze %dma_wait3A_183 : memref<1x16384xf32, #tpu.memory_space<vmem>> -> memref<16384xf32, #tpu.memory_space<vmem>>
    tpu.wait_dma2 semaphore(%arg9 : memref<!tpu.dma_semaphore, #tpu.memory_space<semaphore_mem>>) src(%dma_wait3A_184 : memref<16384xf32, #tpu.memory_space<vmem>>) dst(%dma_wait3A_181 : memref<16384xf32, #tpu.memory_space<hbm>>)
    return
  }
}

module attributes {stable_mosaic.version = 14 : i64} {
  func.func @_tc_body(%arg0: i32, %arg1: memref<512x1024xf32, #tpu.memory_space<vmem>>, %arg2: memref<2048x1024xf32, #tpu.memory_space<vmem>>, %arg3: memref<512x1024xf32, #tpu.memory_space<vmem>>) attributes {dimension_semantics = [#tpu.dimension_semantics<arbitrary>], iteration_bounds = array<i64: 14>, scalar_prefetch = 0 : i64, scratch_operands = 0 : i64, tpu.core_type = #tpu.core_type<tc>, window_params = [{transform_indices = @transform_0, window_bounds = array<i64: 512, 1024>}, {pipeline_mode = #tpu.pipeline_mode<synchronous>, transform_indices = @transform_1, window_bounds = array<i64: 2048, 1024>}, {transform_indices = @transform_2, window_bounds = array<i64: 512, 1024>}]} {
    %mul3A = arith.constant 512 : i32
    %mul3A_0 = arith.muli %arg0, %mul3A : i32
    %rem3A = arith.constant 2048 : i32
    %rem3A_1 = arith.remsi %mul3A_0, %rem3A : i32
    %get3A = arith.constant 0 : index
    %get3A_2 = arith.constant 0 : index
    %get3A_3 = vector.load %arg1[%get3A, %get3A_2] : memref<512x1024xf32, #tpu.memory_space<vmem>>, vector<512x1024xf32>
    %get3A_4 = arith.index_cast %rem3A_1 : i32 to index
    %get3A_5 = arith.constant 0 : index
    %get3A_6 = vector.load %arg2[%get3A_4, %get3A_5] : memref<2048x1024xf32, #tpu.memory_space<vmem>>, vector<512x1024xf32>
    %add3A = arith.addf %get3A_3, %get3A_6 : vector<512x1024xf32>
    %swap3A = arith.constant 0 : index
    %swap3A_7 = arith.constant 0 : index
    %swap3A_8 = vector.load %arg3[%swap3A, %swap3A_7] : memref<512x1024xf32, #tpu.memory_space<vmem>>, vector<512x1024xf32>
    tpu.vector_store %arg3[%swap3A, %swap3A_7], %add3A {strides = array<i32>} : memref<512x1024xf32, #tpu.memory_space<vmem>>, vector<512x1024xf32>,
    return
  }
  func.func @transform_0(%arg0: i32) -> (i32, i32) {
    %c0_i32 = arith.constant 0 : i32
    %c0_i32_0 = arith.constant 0 : i32
    return %arg0, %c0_i32 : i32, i32
  }
  func.func @transform_1(%arg0: i32) -> (i32, i32) {
    %c0_i32 = arith.constant 0 : i32
    %c0_i32_0 = arith.constant 0 : i32
    %c0_i32_1 = arith.constant 0 : i32
    return %c0_i32, %c0_i32_0 : i32, i32
  }
  func.func @transform_2(%arg0: i32) -> (i32, i32) {
    %c0_i32 = arith.constant 0 : i32
    %c0_i32_0 = arith.constant 0 : i32
    return %arg0, %c0_i32 : i32, i32
  }
}

</mosaic_0001>

<sc_bundles>
// kernel: kernel.4.cloned.1.call-start
scs
__scs_entry_jumppad:
0x0: {  	(pc) =	sbr.rel $0x88, $3  }
0x1: {  	(tag) =	ssettag $0x0;
	lr =	simm.s32 $0x1  }
0x2: {  	[smem:$0x3F9F] =	sst lr;
	_ =	strace $0xD0000000  }
0x3: {  	_ = 	snop  }
0x4: {  	_ = 	snop  }
0x5: {  	_ = 	snop  }
0x6: {  	_ = 	snop  }
0x7: {  	_ = 	snop  }
__scs_overlays_trampoline_lowered:
0x8: {  	[smem:$0x3FAE] =	sst s0  }
0x9: {  	[smem:$0x3FAF] =	sst s1  }
0xa: {  	[smem:$0x3FB0] =	sst s2  }
0xb: {  	[smem:$0x3FB1] =	sst s3  }
0xc: {  	[smem:$0x3FB2] =	sst s4  }
0xd: {  	[smem:$0x3FB3] =	sst s5  }
0xe: {  	[smem:$0x3FB4] =	sst s6  }
0xf: {  	[smem:$0x3FB5] =	sst s7  }
0x10: {  	[smem:$0x3FB6] =	sst s8  }
0x11: {  	[smem:$0x3FB7] =	sst s9;
	s0 =	simm.s32 @!p0 $0x0  }
0x12: {  	s1 =	sld [smem:$0x3F9D];
	s0 =	simm.s32 @p0 $0x1  }
0x13: {  	[smem:$0x3FB8] =	sst s0;
	s0 =	simm.s32 @!p1 $0x0  }
0x14: {  	s2 =	sld [smem:$0x3F9C];
	s0 =	simm.s32 @p1 $0x1  }
0x15: {  	[smem:$0x3FB9] =	sst s0;
	s0 =	simm.s32 @!p2 $0x0  }
0x16: {  	s3 =	sld [smem:$0x3FDB];
	s0 =	simm.s32 @p2 $0x1  }
0x17: {  	s4 =	simm.s32 $0x1BF5;
	[smem:$0x3FBB] =	sst s0  }
0x18: {  	s0 =	sld [smem:$0x3F9E];
	_ =	swait.ge [sflag:s4], $0x0  }
0x19: {  	s7 =	sld [smem:$0x3F9F]  }
0x1a: {  	s8 =	sadd.s32 $0xFFFFE003, lr  }
0x1b: {  	s9 =	sadd.s32 $0xFFFFFEF7, lr;
	s5 =	simm.s32 $0xFFFFFFFF;
	p2 =	slt.u32 s8, $0xFFFFF086  }
0x1c: {  	p1 =	slt.u32 s9, $0xF7A;
	s5 =	simm.s32 @!p2 $0x0  }
0x1d: {  	s5 =	simm.s32 @p1 $0x1;
	p0 =	seq.s32 s7, s2  }
0x1e: {  	s7 =	smul.u32 @!p0 $0xF7A, s2;
	p2 =	seq.s32 @!p0 s5, $0x0  }
0x1f: {  	s9 =	smul.u32 $0xF7A, s1;
	s8 =	simm.s32 @!p0 $0x1BF5;
	p2 =	por !p2, p0  }
0x20: {  	[sflag:s8] =	ssyncset.s32 @!p0 $0xFFFFF086;
	s6 =	sadd.s32 @!p0 s3, s7;
	s7 =	simm.s32 @!p0 $0x108  }
0x21: {  	s3 =	sadd.s32 s3, s9;
	s6 =	sadd.s32 @!p0 $0x88, s6;
	s7 =	simm.s32 @p2 $0x1082  }
0x22: {  	[simem:s7], [sflag:s8] =	dma.local @!p0 [hbm:s6], $0xF7A  }
0x23: {  	s9 =	sor.u32 $0xD0000000, s2;
	s6 =	simm.s32 $0x108;
	_ =	swait.ge @!p0 [sflag:s8], $0x0  }
0x24: {  	s3 =	sadd.s32 $0x88, s3;
	s6 =	simm.s32 @!p1 $0x1082;
	[sflag:s4] =	ssyncset.s32 $0xFFFFF086  }
0x25: {  	[simem:s6], [sflag:s4] =	dma.local [hbm:s3], $0xF7A  }
0x26: {  	[smem:$0x3F9F] =	sst s1;
	(tag) =	ssettag s2;
	_ =	strace s9  }
0x27: {  	s1 =	sld [smem:$0x3FAF]  }
0x28: {  	s2 =	sld [smem:$0x3FB0]  }
0x29: {  	s4 =	sld [smem:$0x3FB2]  }
0x2a: {  	p0 =	seq.s32 s5, $0x0;
	s5 =	sld [smem:$0x3FB3]  }
0x2b: {  	s6 =	sld [smem:$0x3FB4]  }
0x2c: {  	s7 =	sld [smem:$0x3FB5]  }
0x2d: {  	s3 =	simm.s32 $0x108;
	s8 =	sld [smem:$0x3FB6]  }
0x2e: {  	s3 =	simm.s32 @!p0 $0x1082;
	s9 =	sld [smem:$0x3FB7]  }
0x2f: {  	lr =	sadd.s32 s0, s3;
	s0 =	sld [smem:$0x3FAE]  }
0x30: {  	s3 =	sld [smem:$0x3FB1]  }
0x31: {  	[smem:$0x3FBA] =	sst s10  }
0x32: {  	s10 =	sld [smem:$0x3FB8];
	_ =	sdelay $0x3  }
0x33: {  	p0 =	seq.s32 s10, $0x1;
	s10 =	sld [smem:$0x3FBA];
	_ =	sdelay $0x3  }
0x34: {  	[smem:$0x3FBA] =	sst s10  }
0x35: {  	s10 =	sld [smem:$0x3FB9];
	_ =	sdelay $0x3  }
0x36: {  	p1 =	seq.s32 s10, $0x1;
	s10 =	sld [smem:$0x3FBA];
	_ =	sdelay $0x3  }
0x37: {  	[smem:$0x3FBA] =	sst s10  }
0x38: {  	s10 =	sld [smem:$0x3FBB]  }
0x39: {  	_ = 	snop;
	(pc) =	sbr.ind lr, $3  }
0x3a: {  	_ = 	snop  }
0x3b: {  	_ = 	snop  }
0x3c: {  	p2 =	seq.s32 s10, $0x1;
	s10 =	sld [smem:$0x3FBA]  }
0x3d: {  	_ =	shalt  }
0x3e: {  	_ =	shalt  }
0x3f: {  	_ =	shalt  }
0x40: {  	_ =	shalt  }
0x41: {  	_ =	shalt  }
0x42: {  	_ =	shalt  }
0x43: {  	_ =	shalt  }
0x44: {  	_ =	shalt  }
0x45: {  	_ =	shalt  }
0x46: {  	_ =	shalt  }
0x47: {  	_ =	shalt  }
0x48: {  	_ =	shalt  }
0x49: {  	_ =	shalt  }
0x4a: {  	_ =	shalt  }
0x4b: {  	_ =	shalt  }
0x4c: {  	_ =	shalt  }
0x4d: {  	_ =	shalt  }
0x4e: {  	_ =	shalt  }
0x4f: {  	_ =	shalt  }
0x50: {  	_ =	shalt  }
0x51: {  	_ =	shalt  }
0x52: {  	_ =	shalt  }
0x53: {  	_ =	shalt  }
0x54: {  	_ =	shalt  }
0x55: {  	_ =	shalt  }
0x56: {  	_ =	shalt  }
0x57: {  	_ =	shalt  }
0x58: {  	_ =	shalt  }
0x59: {  	_ =	shalt  }
0x5a: {  	_ =	shalt  }
0x5b: {  	_ =	shalt  }
0x5c: {  	_ =	shalt  }
0x5d: {  	_ =	shalt  }
0x5e: {  	_ =	shalt  }
0x5f: {  	_ =	shalt  }
0x60: {  	_ =	shalt  }
0x61: {  	_ =	shalt  }
0x62: {  	_ =	shalt  }
0x63: {  	_ =	shalt  }
0x64: {  	_ =	shalt  }
0x65: {  	_ =	shalt  }
0x66: {  	_ =	shalt  }
0x67: {  	_ =	shalt  }
0x68: {  	_ =	shalt  }
0x69: {  	_ =	shalt  }
0x6a: {  	_ =	shalt  }
0x6b: {  	_ =	shalt  }
0x6c: {  	_ =	shalt  }
0x6d: {  	_ =	shalt  }
0x6e: {  	_ =	shalt  }
0x6f: {  	_ =	shalt  }
0x70: {  	_ =	shalt  }
0x71: {  	_ =	shalt  }
0x72: {  	_ =	shalt  }
0x73: {  	_ =	shalt  }
0x74: {  	_ =	shalt  }
0x75: {  	_ =	shalt  }
0x76: {  	_ =	shalt  }
0x77: {  	_ =	shalt  }
0x78: {  	_ =	shalt  }
0x79: {  	_ =	shalt  }
0x7a: {  	_ =	shalt  }
0x7b: {  	_ =	shalt  }
0x7c: {  	_ =	shalt  }
0x7d: {  	_ =	shalt  }
0x7e: {  	_ =	shalt  }
0x7f: {  	_ =	shalt  }
0x80: {  	_ =	shalt  }
0x81: {  	_ =	shalt  }
0x82: {  	_ =	shalt  }
0x83: {  	_ =	shalt  }
0x84: {  	_ =	shalt  }
0x85: {  	_ =	shalt  }
0x86: {  	_ =	shalt  }
0x87: {  	_ =	shalt  }
.Lfunc_end0:
.L_simem_size_0:
called_computation.1_lowered:
.L_overlay_start_0:
0x88: {  	s2 =	sld [smem:$0x3FD9]  }
0x89: {  	s3 =	sld [smem:$0x3FFE];
	_ =	sdelay $0x1  }
0x8a: {  	s1 =	srdreg.scid  }
0x8b: {  	s0 =	sand.u32 $0x1, s1  }
0x8c: {  	s17 =	sshll.u32 s0, $0xA;
	s2 =	sadd.s32 s3, s2  }
0x8d: {  	s2 =	sadd.s32 s2, s17  }
0x8e: {  	[smem:$0x3FC6] =	sst s2  }
0x8f: {  	_ = 	snop  }
0x90: {  	s2 =	sld [smem:$0x3FD0];
	(tm) =	ssettm $0x1  }
0x91: {  	s18 =	sld [smem:$0x3FFB];
	_ =	sdelay $0x3  }
0x92: {  	_ =	strace s18  }
0x93: {  	s3 =	sld [smem:$0x3FFC];
	_ =	sdelay $0x3  }
0x94: {  	_ =	strace s3  }
0x95: {  	s3 =	sld [smem:$0x3FFD];
	_ =	sdelay $0x3  }
0x96: {  	_ =	strace s3  }
0x97: {  	_ =	strace $0x8FFFFFFF  }
0x98: {  	s19 =	sld [smem:$0x3FDB];
	_ =	sdelay $0x1  }
0x99: {  	s4 =	simm.s32 $_scs_section_size  }
0x9a: {  	s5 =	simm.s32 $_size__tile_overlayer_lowered;
	s6 =	simm.s32 $_tile_overlayer_lowered  }
0x9b: {  	s22 =	simm.s32 $0x1BFF;
	s21 =	sshll.u32 s6, $0x1;
	s3 =	sadd.s32 s4, s19  }
0x9c: {  	s7 =	simm.s32 $0x0;
	s20 =	sshll.u32 s5, $0x1;
	s5 =	sadd.s32 s21, s3  }
0x9d: {  	[timem:s7], [sflag:s22] =	dma.local [hbm:s5], s20  }
0x9e: {  	_ =	swait.ge [sflag:s22], s20  }
0x9f: {  	s4 =	ssub.s32 $0x0, s20;
	[sflag:s22] =	ssyncset.done $0x0  }
0xa0: {  	[sflag:s22] =	ssyncadd.s32 s4;
	_ =	sdelay $0x1  }
0xa1: {  	s23 =	simm.s32 $0x1B8B  }
0xa2: {  	_ =	swait.ge [sflag:s23], $0x1  }
0xa3: {  	[sflag:s23] =	ssyncset.done $0x0  }
0xa4: {  	s25 =	simm.s32 $0x1B8E;
	s24 =	sld [smem:$0x3FFE];
	[sflag:s23] =	ssyncadd.s32 $0xFFFFFFFF  }
0xa5: {  	s26 =	simm.s32 $execute0_lowered;
	[smem:$0x3FD2] =	sst s25  }
0xa6: {  	s5 =	sshll.u32 s26, $0x1;
	_ =	strace $0x80000049;
	[dreg:$0x1] =	wrdreg $0xFFFFFFFF  }
0xa7: {  	s28 =	simm.s32 $_size_execute0_lowered;
	s3 =	sadd.s32 s3, s5;
	[dreg:$0x0] =	wrdreg $0x0  }
0xa8: {  	s5 =	sshll.u32 s28, $0x1;
	[dreg:$0x2] =	wrdreg s3  }
0xa9: {  	[dreg:$0x3] =	wrdreg s5  }
0xaa: {  	[dreg:$0x4] =	wrdreg $0xC0  }
0xab: {  	_ =	task [dreg:s7], $0x5FFFF  }
0xac: {  	[dreg:$0x1] =	wrdreg $0xFFFFFFFF  }
0xad: {  	[dreg:$0x0] =	wrdreg $0x60  }
0xae: {  	[dreg:$0x2] =	wrdreg s2  }
0xaf: {  	[dreg:$0x3] =	wrdreg s24  }
0xb0: {  	[dreg:$0x4] =	wrdreg $0x9  }
0xb1: {  	_ =	task.clear_ibuf [dreg:s7], $0x5FFFF;
	_ =	strace $0x90000049  }
0xb2: {  	s29 =	simm.s32 $0x9;
	_ =	strace $0x8000004B  }
0xb3: {  	_ =	swait.ge [sflag:s29], $0x1  }
0xb4: {  	[sflag:s29] =	ssyncadd.s32 $0xFFFFFFFF  }
0xb5: {  	_ =	strace $0x9000004B  }
0xb6: {  	_ =	sfence  }
0xb7: {  	s30 =	sld [smem:$0x0];
	_ =	sdelay $0x2  }
0xb8: {  	s31 =	sshll.u32 s1, $0xD;
	s1 =	sshrl.u32 s1, $0x2  }
0xb9: {  	s3 =	sand.u32 $0x4000, s31;
	s1 =	sadd.s32 s1, s30  }
0xba: {  	s0 =	sor.u32 s3, s0;
	s1 =	sshll.u32 s1, $0x11  }
0xbb: {  	s0 =	sor.u32 s1, s0  }
0xbc: {  	s0 =	sadd.s32 $0x8F2B, s0  }
0xbd: {  	[sflag:s0] =	ssyncadd.remote.s32 $0x1  }
0xbe: {  	_ =	sfence.sel $0xFFFF  }
0xbf: {  	[dreg:$0x0] =	wrdreg $0xFFFFFFFF;
	(pc) =	sbr.abs _section_cstart, $3  }
0xc0: {  	[dreg:$0x1] =	wrdreg $0xFFFFFFFF  }
0xc1: {  	_ =	task.clear_ibuf [dreg:s7], $0x2FFFF;
	_ =	strace $0x9FFFFFFF  }
0xc2: {  	(tm) =	ssettm $0x7FFFFFFF  }
0xc3: {  	_ =	shalt  }
tec
execute0_lowered:
.L_overlay_start_1:
0x0: {  	(tag) =	ssettag $0x1  }
0x1: {  	s3 =	rddreg [dreg:$0x0]  }
0x2: {  	s4 =	rddreg [dreg:$0x1];
	s2 =	srdreg.scid  }
0x3: {  	s0 =	rddreg [dreg:$0x2];
	s1 =	stileid.u32;
	s11 =	simm.s32 $0x2  }
0x4: {  	s12 =	simm.s32 $0x0;
	s5 =	sand.u32 $0x1, s2;
	s2 =	simm.s32 $0x0  }
0x5: {  	s6 =	sshll.u32 s1, $0xD;
	s7 =	sshll.u32 s5, $0xC;
	[smem:$0x7FF] =	sst s2  }
0x6: {  	s5 =	ssub.s32 $0x2, s5;
	s6 =	sor.u32 s7, s6;
	_ =	strace $0x8000004A  }
0x7: {  	s31 =	sshrl.u32 s5, $0x1;
	s8 =	sadd.s32 s6, s3;
	s9 =	sadd.s32 s6, s4  }
0x8: {  	s10 =	ssub.s32 s5, s31;
	s3 =	sadd.s32 $0xE0000, s8;
	s4 =	sadd.s32 $0x20A00, s9  }
0x9: {  	s5 =	sadd.s32 $0xE0800, s8;
	s6 =	sadd.s32 $0x21200, s9;
	s7 =	sadd.s32 $0x40A00, s9  }
0xa: {  	s8 =	sadd.s32 $0x41200, s9;
	s9 =	smax.u32 s10, $0x1;
	s10 =	simm.s32 $0x1  }
.LBB2_1:
0xb: {  	s13 =	simm.s32 $0x10  }
0xc: {  	s16 =	sadd.s32 $0x0, s3;
	s14 =	simm.s32 $0x100;
	s15 =	simm.s32 $0x0  }
.LBB2_2:
0xd: {  	[tilespmem:s15], [sflag:$0x1] =	stream.linear.gather [hbm4b:s16+s2], $0x80, $0x38;
	[tilespmem:$0x18000] =	vst v63  }
0xe: {  	s16 =	smov.u32 s13;
	s15 =	smov.u32 s14;
	p0 =	sne.s32 s13, $0x7F0  }
.Ltmp0:
0xf: {  	s13 =	sadd.s32 $0x10, s13;
	(pc) =	sbr.rel @p0 .LBB2_2-.Ltmp0, $2  }
0x10: {  	_ =	sdelay $0x2  }
0x11: {  	s14 =	sadd.s32 $0x100, s14;
	s16 =	sadd.s32 s16, s3  }
0x12: {  	[tilespmem:s15], [sflag:$0x1] =	stream.linear.gather [hbm4b:s16+s2], $0x80, $0x38;
	[tilespmem:$0x18000] =	vst v63  }
0x13: {  	s13 =	simm.s32 $0x8000  }
0x14: {  	s14 =	simm.s32 $0x10;
	s16 =	sadd.s32 $0x0, s4;
	s15 =	simm.s32 $0x8100  }
.LBB2_4:
0x15: {  	[tilespmem:s13], [sflag:$0x1] =	stream.linear.gather [hbm4b:s16+s2], $0x80, $0x38;
	[tilespmem:$0x18000] =	vst v63  }
0x16: {  	s16 =	smov.u32 s14;
	s13 =	smov.u32 s15;
	p0 =	sne.s32 s14, $0x7F0  }
.Ltmp1:
0x17: {  	s14 =	sadd.s32 $0x10, s14;
	(pc) =	sbr.rel @p0 .LBB2_4-.Ltmp1, $2  }
0x18: {  	_ =	sdelay $0x2  }
0x19: {  	s15 =	sadd.s32 $0x100, s15;
	s16 =	sadd.s32 s16, s4  }
0x1a: {  	[tilespmem:s13], [sflag:$0x1] =	stream.linear.gather [hbm4b:s16+s2], $0x80, $0x38;
	[tilespmem:$0x18000] =	vst v63  }
0x1b: {  	s13 =	simm.s32 $0x80  }
0x1c: {  	s14 =	simm.s32 $0x10;
	s16 =	sadd.s32 $0x0, s5;
	s15 =	simm.s32 $0x180  }
.LBB2_6:
0x1d: {  	[tilespmem:s13], [sflag:$0x1] =	stream.linear.gather [hbm4b:s16+s2], $0x80, $0x38;
	[tilespmem:$0x18000] =	vst v63  }
0x1e: {  	s16 =	smov.u32 s14;
	s13 =	smov.u32 s15;
	p0 =	sne.s32 s14, $0x7F0  }
.Ltmp2:
0x1f: {  	s14 =	sadd.s32 $0x10, s14;
	(pc) =	sbr.rel @p0 .LBB2_6-.Ltmp2, $2  }
0x20: {  	_ =	sdelay $0x2  }
0x21: {  	s15 =	sadd.s32 $0x100, s15;
	s16 =	sadd.s32 s16, s5  }
0x22: {  	[tilespmem:s13], [sflag:$0x1] =	stream.linear.gather [hbm4b:s16+s2], $0x80, $0x38;
	[tilespmem:$0x18000] =	vst v63  }
0x23: {  	s13 =	simm.s32 $0x8080  }
0x24: {  	s14 =	simm.s32 $0x10;
	s16 =	sadd.s32 $0x0, s6;
	s15 =	simm.s32 $0x8180  }
.LBB2_8:
0x25: {  	[tilespmem:s13], [sflag:$0x1] =	stream.linear.gather [hbm4b:s16+s2], $0x80, $0x38;
	[tilespmem:$0x18000] =	vst v63  }
0x26: {  	s16 =	smov.u32 s14;
	s13 =	smov.u32 s15;
	p0 =	sne.s32 s14, $0x7F0  }
.Ltmp3:
0x27: {  	s14 =	sadd.s32 $0x10, s14;
	(pc) =	sbr.rel @p0 .LBB2_8-.Ltmp3, $2  }
0x28: {  	_ =	sdelay $0x2  }
0x29: {  	s15 =	sadd.s32 $0x100, s15;
	s16 =	sadd.s32 s16, s6  }
0x2a: {  	[tilespmem:s13], [sflag:$0x1] =	stream.linear.gather [hbm4b:s16+s2], $0x80, $0x38;
	[tilespmem:$0x18000] =	vst v63  }
0x2b: {  	_ =	swait.ge [sflag:s10], $0x4000  }
0x2c: {  	[sflag:s10] =	ssyncset.done $0x0  }
0x2d: {  	[sflag:s10] =	ssyncadd.s32 $0xFFFFC000  }
0x2e: {  	_ =	swait.ge [sflag:s10], $0x4000  }
0x2f: {  	[sflag:s10] =	ssyncset.done $0x0  }
0x30: {  	s13 =	simm.s32 $0x0;
	[sflag:s10] =	ssyncadd.s32 $0xFFFFC000  }
0x31: {  	v0 =	vld [tilespmem:s13+$0x70]  }
0x32: {  	v1 =	vld [tilespmem:s13+$0x8070]  }
0x33: {  	v2 =	vld [tilespmem:s13+$0x0]  }
0x34: {  	v3 =	vld [tilespmem:s13+$0x8000]  }
0x35: {  	v4 =	vld [tilespmem:s13+$0x10]  }
0x36: {  	v5 =	vld [tilespmem:s13+$0x8010]  }
0x37: {  	v6 =	vld [tilespmem:s13+$0x20]  }
0x38: {  	v7 =	vld [tilespmem:s13+$0x30]  }
0x39: {  	v0 =	vadd.f32 v1, v0;
	v1 =	vld [tilespmem:s13+$0x8020]  }
0x3a: {  	v8 =	vld [tilespmem:s13+$0x8030]  }
0x3b: {  	v9 =	vld [tilespmem:s13+$0x8040];
	v2 =	vadd.f32 v3, v2  }
0x3c: {  	[tilespmem:s13+$0x10070] =	vst v0;
	v0 =	vadd.f32 v5, v4;
	v5 =	vld [tilespmem:s13+$0x40]  }
0x3d: {  	v3 =	vld [tilespmem:s13+$0x8050];
	[tilespmem:s13+$0x10000] =	vst v2  }
0x3e: {  	v2 =	vld [tilespmem:s13+$0x50];
	[tilespmem:s13+$0x10010] =	vst v0;
	v0 =	vadd.f32 v1, v6  }
0x3f: {  	v4 =	vld [tilespmem:s13+$0x8060];
	v6 =	vadd.f32 v8, v7  }
0x40: {  	s14 =	simm.s32 $0x100;
	[tilespmem:s13+$0x10020] =	vst v0;
	v0 =	vld [tilespmem:s13+$0x60]  }
0x41: {  	s15 =	simm.s32 $0x800;
	v5 =	vadd.f32 v9, v5;
	v1 =	vld [tilespmem:s14+$0x70];
	[tilespmem:s13+$0x10030] =	vst v6  }
.LBB2_10:
0x42: {  	p0 =	sne.s32 s15, $0x1FC00;
	v6 =	vld [tilespmem:s14+$0x8070]  }
0x43: {  	v7 =	vld [tilespmem:s14+$0x0];
	[tilespmem:s13+$0x10040] =	vst v5;
	v2 =	vadd.f32 v3, v2  }
0x44: {  	v3 =	vld [tilespmem:s14+$0x8000]  }
0x45: {  	v5 =	vld [tilespmem:s14+$0x10];
	[tilespmem:s13+$0x10050] =	vst v2;
	v0 =	vadd.f32 v4, v0  }
0x46: {  	v2 =	vld [tilespmem:s14+$0x8010]  }
0x47: {  	v4 =	vld [tilespmem:s14+$0x20];
	v1 =	vadd.f32 v6, v1;
	[tilespmem:s13+$0x10060] =	vst v0;
	s13 =	smov.u32 s14  }
0x48: {  	v0 =	vld [tilespmem:s13+$0x8020]  }
0x49: {  	v3 =	vadd.f32 v3, v7;
	v6 =	vld [tilespmem:s13+$0x30];
	[tilespmem:s13+$0x10070] =	vst v1  }
0x4a: {  	v1 =	vld [tilespmem:s13+$0x8030]  }
0x4b: {  	[tilespmem:s13+$0x10000] =	vst v3;
	v2 =	vadd.f32 v2, v5;
	v5 =	vld [tilespmem:s13+$0x40]  }
0x4c: {  	v7 =	vld [tilespmem:s13+$0x8040]  }
.Ltmp4:
0x4d: {  	[tilespmem:s13+$0x10010] =	vst v2;
	v0 =	vadd.f32 v0, v4;
	v2 =	vld [tilespmem:s13+$0x50];
	(pc) =	sbr.rel @p0 .LBB2_10-.Ltmp4, $4  }
0x4e: {  	v3 =	vld [tilespmem:s13+$0x8050]  }
0x4f: {  	[tilespmem:s13+$0x10020] =	vst v0;
	v6 =	vadd.f32 v1, v6;
	v0 =	vld [tilespmem:s13+$0x60]  }
0x50: {  	s14 =	sshra.s32 s15, $0x2;
	v4 =	vld [tilespmem:s13+$0x8060]  }
0x51: {  	s15 =	sadd.s32 $0x400, s15;
	v1 =	vld [tilespmem:s14+$0x70];
	[tilespmem:s13+$0x10030] =	vst v6;
	v5 =	vadd.f32 v7, v5  }
0x52: {  	v6 =	vld [tilespmem:s14+$0x8070]  }
0x53: {  	v7 =	vld [tilespmem:s14+$0x0];
	[tilespmem:s13+$0x10040] =	vst v5;
	v2 =	vadd.f32 v3, v2  }
0x54: {  	v51 =	vld [tilespmem:s14+$0x8000]  }
0x55: {  	v5 =	vld [tilespmem:s14+$0x10];
	[tilespmem:s13+$0x10050] =	vst v2;
	v0 =	vadd.f32 v4, v0  }
0x56: {  	v2 =	vld [tilespmem:s14+$0x8010]  }
0x57: {  	v52 =	vld [tilespmem:s14+$0x20];
	[tilespmem:s13+$0x10060] =	vst v0  }
0x58: {  	v54 =	vld [tilespmem:s14+$0x8020]  }
0x59: {  	v55 =	vld [tilespmem:s14+$0x30]  }
0x5a: {  	v56 =	vld [tilespmem:s14+$0x8030]  }
0x5b: {  	v57 =	vld [tilespmem:s14+$0x40]  }
0x5c: {  	v58 =	vld [tilespmem:s14+$0x8040]  }
0x5d: {  	v59 =	vld [tilespmem:s14+$0x50]  }
0x5e: {  	v53 =	vadd.f32 v6, v1;
	v60 =	vld [tilespmem:s14+$0x8050]  }
0x5f: {  	v61 =	vld [tilespmem:s14+$0x60];
	v3 =	vadd.f32 v51, v7  }
0x60: {  	v62 =	vld [tilespmem:s14+$0x8060];
	[tilespmem:s14+$0x10070] =	vst v53;
	v2 =	vadd.f32 v2, v5  }
0x61: {  	[tilespmem:s14+$0x10000] =	vst v3;
	v1 =	vadd.f32 v54, v52  }
0x62: {  	[tilespmem:s14+$0x10010] =	vst v2;
	v0 =	vadd.f32 v56, v55  }
0x63: {  	v3 =	vadd.f32 v58, v57;
	[tilespmem:s14+$0x10020] =	vst v1  }
0x64: {  	v63 =	vadd.f32 v60, v59;
	[tilespmem:s14+$0x10030] =	vst v0  }
0x65: {  	[tilespmem:s14+$0x10040] =	vst v3;
	v1 =	vadd.f32 v62, v61  }
0x66: {  	s16 =	sadd.s32 $0x0, s7;
	[tilespmem:s14+$0x10050] =	vst v63  }
0x67: {  	s15 =	simm.s32 $0x10100;
	s13 =	simm.s32 $0x10000;
	[tilespmem:s14+$0x10060] =	vst v1;
	s14 =	simm.s32 $0x10  }
.LBB2_12:
0x68: {  	[hbm4b:s16+s2] =	stream.linear.scatter [tilespmem:s13], [sflag:$0x2], $0x80, $0x38;
	[tilespmem:$0x18000] =	vst v63  }
0x69: {  	s16 =	smov.u32 s14;
	s13 =	smov.u32 s15;
	p0 =	sne.s32 s14, $0x7F0  }
.Ltmp5:
0x6a: {  	s14 =	sadd.s32 $0x10, s14;
	(pc) =	sbr.rel @p0 .LBB2_12-.Ltmp5, $2  }
0x6b: {  	_ =	sdelay $0x2  }
0x6c: {  	s15 =	sadd.s32 $0x100, s15;
	s16 =	sadd.s32 s16, s7  }
0x6d: {  	[hbm4b:s16+s2] =	stream.linear.scatter [tilespmem:s13], [sflag:$0x2], $0x80, $0x38;
	[tilespmem:$0x18000] =	vst v63  }
0x6e: {  	_ =	swait.ge [sflag:s10], $0x4000  }
0x6f: {  	[sflag:s10] =	ssyncset.done $0x0  }
0x70: {  	[sflag:s10] =	ssyncadd.s32 $0xFFFFC000  }
0x71: {  	_ =	swait.ge [sflag:s10], $0x4000  }
0x72: {  	[sflag:s10] =	ssyncset.done $0x0  }
0x73: {  	s13 =	simm.s32 $0x0;
	[sflag:s10] =	ssyncadd.s32 $0xFFFFC000  }
0x74: {  	v0 =	vld [tilespmem:s13+$0xF0]  }
0x75: {  	v1 =	vld [tilespmem:s13+$0x80F0]  }
0x76: {  	v2 =	vld [tilespmem:s13+$0x80]  }
0x77: {  	v3 =	vld [tilespmem:s13+$0x8080]  }
0x78: {  	v4 =	vld [tilespmem:s13+$0x90]  }
0x79: {  	v5 =	vld [tilespmem:s13+$0x8090]  }
0x7a: {  	v6 =	vld [tilespmem:s13+$0xA0]  }
0x7b: {  	v7 =	vld [tilespmem:s13+$0xB0]  }
0x7c: {  	v0 =	vadd.f32 v1, v0;
	v1 =	vld [tilespmem:s13+$0x80A0]  }
0x7d: {  	v8 =	vld [tilespmem:s13+$0x80B0]  }
0x7e: {  	v9 =	vld [tilespmem:s13+$0x80C0];
	v2 =	vadd.f32 v3, v2  }
0x7f: {  	[tilespmem:s13+$0x100F0] =	vst v0;
	v0 =	vadd.f32 v5, v4;
	v5 =	vld [tilespmem:s13+$0xC0]  }
0x80: {  	v3 =	vld [tilespmem:s13+$0x80D0];
	[tilespmem:s13+$0x10080] =	vst v2  }
0x81: {  	v2 =	vld [tilespmem:s13+$0xD0];
	[tilespmem:s13+$0x10090] =	vst v0;
	v0 =	vadd.f32 v1, v6  }
0x82: {  	v4 =	vld [tilespmem:s13+$0x80E0];
	v6 =	vadd.f32 v8, v7  }
0x83: {  	s14 =	simm.s32 $0x100;
	[tilespmem:s13+$0x100A0] =	vst v0;
	v0 =	vld [tilespmem:s13+$0xE0]  }
0x84: {  	s15 =	simm.s32 $0x800;
	v5 =	vadd.f32 v9, v5;
	v1 =	vld [tilespmem:s14+$0xF0];
	[tilespmem:s13+$0x100B0] =	vst v6  }
.LBB2_14:
0x85: {  	p0 =	sne.s32 s15, $0x1FC00;
	v6 =	vld [tilespmem:s14+$0x80F0]  }
0x86: {  	v7 =	vld [tilespmem:s14+$0x80];
	[tilespmem:s13+$0x100C0] =	vst v5;
	v2 =	vadd.f32 v3, v2  }
0x87: {  	v3 =	vld [tilespmem:s14+$0x8080]  }
0x88: {  	v5 =	vld [tilespmem:s14+$0x90];
	[tilespmem:s13+$0x100D0] =	vst v2;
	v0 =	vadd.f32 v4, v0  }
0x89: {  	v2 =	vld [tilespmem:s14+$0x8090]  }
0x8a: {  	v4 =	vld [tilespmem:s14+$0xA0];
	v1 =	vadd.f32 v6, v1;
	[tilespmem:s13+$0x100E0] =	vst v0;
	s13 =	smov.u32 s14  }
0x8b: {  	v0 =	vld [tilespmem:s13+$0x80A0]  }
0x8c: {  	v3 =	vadd.f32 v3, v7;
	v6 =	vld [tilespmem:s13+$0xB0];
	[tilespmem:s13+$0x100F0] =	vst v1  }
0x8d: {  	v1 =	vld [tilespmem:s13+$0x80B0]  }
0x8e: {  	[tilespmem:s13+$0x10080] =	vst v3;
	v2 =	vadd.f32 v2, v5;
	v5 =	vld [tilespmem:s13+$0xC0]  }
0x8f: {  	v7 =	vld [tilespmem:s13+$0x80C0]  }
.Ltmp6:
0x90: {  	[tilespmem:s13+$0x10090] =	vst v2;
	v0 =	vadd.f32 v0, v4;
	v2 =	vld [tilespmem:s13+$0xD0];
	(pc) =	sbr.rel @p0 .LBB2_14-.Ltmp6, $4  }
0x91: {  	v3 =	vld [tilespmem:s13+$0x80D0]  }
0x92: {  	[tilespmem:s13+$0x100A0] =	vst v0;
	v6 =	vadd.f32 v1, v6;
	v0 =	vld [tilespmem:s13+$0xE0]  }
0x93: {  	s14 =	sshra.s32 s15, $0x2;
	v4 =	vld [tilespmem:s13+$0x80E0]  }
0x94: {  	s15 =	sadd.s32 $0x400, s15;
	v1 =	vld [tilespmem:s14+$0xF0];
	[tilespmem:s13+$0x100B0] =	vst v6;
	v5 =	vadd.f32 v7, v5  }
0x95: {  	v6 =	vld [tilespmem:s14+$0x80F0]  }
0x96: {  	v7 =	vld [tilespmem:s14+$0x80];
	[tilespmem:s13+$0x100C0] =	vst v5;
	v2 =	vadd.f32 v3, v2  }
0x97: {  	v51 =	vld [tilespmem:s14+$0x8080]  }
0x98: {  	v5 =	vld [tilespmem:s14+$0x90];
	[tilespmem:s13+$0x100D0] =	vst v2;
	v0 =	vadd.f32 v4, v0  }
0x99: {  	v2 =	vld [tilespmem:s14+$0x8090]  }
0x9a: {  	v52 =	vld [tilespmem:s14+$0xA0];
	[tilespmem:s13+$0x100E0] =	vst v0  }
0x9b: {  	v54 =	vld [tilespmem:s14+$0x80A0]  }
0x9c: {  	v55 =	vld [tilespmem:s14+$0xB0]  }
0x9d: {  	v56 =	vld [tilespmem:s14+$0x80B0]  }
0x9e: {  	v57 =	vld [tilespmem:s14+$0xC0]  }
0x9f: {  	v58 =	vld [tilespmem:s14+$0x80C0]  }
0xa0: {  	v59 =	vld [tilespmem:s14+$0xD0]  }
0xa1: {  	v53 =	vadd.f32 v6, v1;
	v60 =	vld [tilespmem:s14+$0x80D0]  }
0xa2: {  	v61 =	vld [tilespmem:s14+$0xE0];
	v3 =	vadd.f32 v51, v7  }
0xa3: {  	v62 =	vld [tilespmem:s14+$0x80E0];
	[tilespmem:s14+$0x100F0] =	vst v53;
	v2 =	vadd.f32 v2, v5  }
0xa4: {  	[tilespmem:s14+$0x10080] =	vst v3;
	v1 =	vadd.f32 v54, v52  }
0xa5: {  	[tilespmem:s14+$0x10090] =	vst v2;
	v0 =	vadd.f32 v56, v55  }
0xa6: {  	v3 =	vadd.f32 v58, v57;
	[tilespmem:s14+$0x100A0] =	vst v1  }
0xa7: {  	v63 =	vadd.f32 v60, v59;
	[tilespmem:s14+$0x100B0] =	vst v0  }
0xa8: {  	[tilespmem:s14+$0x100C0] =	vst v3;
	v1 =	vadd.f32 v62, v61  }
0xa9: {  	s16 =	sadd.s32 $0x0, s8;
	[tilespmem:s14+$0x100D0] =	vst v63  }
0xaa: {  	s15 =	simm.s32 $0x10180;
	s13 =	simm.s32 $0x10080;
	[tilespmem:s14+$0x100E0] =	vst v1;
	s14 =	simm.s32 $0x10  }
.LBB2_16:
0xab: {  	[hbm4b:s16+s2] =	stream.linear.scatter [tilespmem:s13], [sflag:$0x2], $0x80, $0x38;
	[tilespmem:$0x18000] =	vst v63  }
0xac: {  	s16 =	smov.u32 s14;
	s13 =	smov.u32 s15;
	p0 =	sne.s32 s14, $0x7F0  }
.Ltmp7:
0xad: {  	s14 =	sadd.s32 $0x10, s14;
	(pc) =	sbr.rel @p0 .LBB2_16-.Ltmp7, $2  }
0xae: {  	_ =	sdelay $0x2  }
0xaf: {  	s15 =	sadd.s32 $0x100, s15;
	s16 =	sadd.s32 s16, s8  }
0xb0: {  	[hbm4b:s16+s2] =	stream.linear.scatter [tilespmem:s13], [sflag:$0x2], $0x80, $0x38;
	[tilespmem:$0x18000] =	vst v63  }
0xb1: {  	s12 =	sadd.s32 $0x1, s12  }
0xb2: {  	_ =	swait.ge [sflag:s11], $0x4000;
	p0 =	sne.s32 s12, s9  }
.Ltmp8:
0xb3: {  	[sflag:s11] =	ssyncset.done $0x0;
	(pc) =	sbr.rel @p0 .LBB2_1-.Ltmp8, $4  }
0xb4: {  	[sflag:s11] =	ssyncadd.s32 $0xFFFFC000  }
0xb5: {  	_ =	swait.ge [sflag:s11], $0x4000  }
0xb6: {  	[sflag:s11] =	ssyncset.done $0x0  }
0xb7: {  	[sflag:s11] =	ssyncadd.s32 $0xFFFFC000  }
0xb8: {  	_ =	sfence.sel $0x180000  }
0xb9: {  	[bflag:$0x0] =	sbarrier.arrive $0xFFFF  }
0xba: {  	p0 =	sne.s32 s1, $0x0;
	_ =	strace $0x9000004A  }
0xbb: {  	s0 =	sadd.s32 @!p0 $0x100000, s0;
	[bflag:$0x2] =	sbarrier.arrive $0xFFFF  }
0xbc: {  	[sflag:s0] =	ssyncadd.tile.s32 @!p0 $0x1;
	_ =	shalt  }
.Lfunc_end2:
_tile_overlayer_lowered:
.L_overlay_start_2:
0xbd: {  	(tag) =	ssettag $0x2  }
0xbe: {  	s0 =	rddreg [dreg:$0x0];
	s2 =	stileid.u32  }
0xbf: {  	s1 =	rddreg [dreg:$0x1];
	p0 =	sne.s32 s2, $0x0  }
0xc0: {  	s3 =	rddreg [dreg:$0x2];
	[bflag:$0x3] =	sbarrier.arrive $0xFFFF;
	s2 =	simm.s32 @!p0 $0x1C03  }
0xc1: {  	[timem:s3], [sflag:s2] =	dma.local @!p0 [hbm:s0], s1  }
0xc2: {  	s0 =	simm.s32 @!p0 $0x3  }
0xc3: {  	_ =	swait.ge @!p0 [sflag:s0], s1  }
0xc4: {  	s1 =	ssub.s32 @!p0 $0x0, s1;
	[sflag:s0] =	ssyncset.done @!p0 $0x0  }
0xc5: {  	[sflag:s0] =	ssyncadd.s32 @!p0 s1  }
0xc6: {  	[bflag:$0x3] =	sbarrier.arrive $0xFFFF  }
0xc7: {  	_ =	shalt  }

// kernel: sparse-core-data-format-call.cloned.1.call-start
scs
called_computation_lowered:
.L_overlay_start_0:
0x0: {  	s2 =	sld [smem:$0x3FD9]  }
0x1: {  	s3 =	sld [smem:$0x3FFE];
	_ =	sdelay $0x1  }
0x2: {  	s1 =	srdreg.scid  }
0x3: {  	s0 =	sand.u32 $0x1, s1  }
0x4: {  	s19 =	sshll.u32 s0, $0xA;
	s2 =	sadd.s32 s3, s2  }
0x5: {  	s2 =	sadd.s32 s2, s19  }
0x6: {  	[smem:$0x3FC6] =	sst s2  }
0x7: {  	_ = 	snop  }
0x8: {  	s2 =	sld [smem:$0x3FC9]  }
0x9: {  	s20 =	sld [smem:$0x3FD0];
	(tm) =	ssettm $0x1  }
0xa: {  	s4 =	sld [smem:$0x3FFB];
	_ =	sdelay $0x3  }
0xb: {  	_ =	strace s4  }
0xc: {  	s4 =	sld [smem:$0x3FFC];
	_ =	sdelay $0x3  }
0xd: {  	_ =	strace s4  }
0xe: {  	s4 =	sld [smem:$0x3FFD];
	_ =	sdelay $0x3  }
0xf: {  	_ =	strace s4  }
0x10: {  	_ =	strace $0x8FFFFFFF  }
0x11: {  	s21 =	sld [smem:$0x3FDB];
	_ =	sdelay $0x1  }
0x12: {  	s5 =	simm.s32 $_scs_section_size  }
0x13: {  	s6 =	simm.s32 $_size__tile_overlayer_lowered;
	s7 =	simm.s32 $_tile_overlayer_lowered  }
0x14: {  	s24 =	simm.s32 $0x1BFF;
	s23 =	sshll.u32 s7, $0x1;
	s4 =	sadd.s32 s5, s21  }
0x15: {  	s8 =	simm.s32 $0x0;
	s22 =	sshll.u32 s6, $0x1;
	s6 =	sadd.s32 s23, s4  }
0x16: {  	[timem:s8], [sflag:s24] =	dma.local [hbm:s6], s22  }
0x17: {  	_ =	swait.ge [sflag:s24], s22  }
0x18: {  	s5 =	ssub.s32 $0x0, s22;
	[sflag:s24] =	ssyncset.done $0x0  }
0x19: {  	[sflag:s24] =	ssyncadd.s32 s5;
	_ =	sdelay $0x1  }
0x1a: {  	s25 =	simm.s32 $0x1B8B  }
0x1b: {  	_ =	swait.ge [sflag:s25], $0x1  }
0x1c: {  	[sflag:s25] =	ssyncset.done $0x0  }
0x1d: {  	s26 =	simm.s32 $0x1B8E;
	[sflag:s25] =	ssyncadd.s32 $0xFFFFFFFF  }
0x1e: {  	s27 =	simm.s32 $execute0_lowered;
	[smem:$0x3FD2] =	sst s26  }
0x1f: {  	s5 =	sshll.u32 s27, $0x1;
	_ =	strace $0x80000046;
	[dreg:$0x1] =	wrdreg $0xFFFFFFFF  }
0x20: {  	s28 =	simm.s32 $_size_execute0_lowered;
	s4 =	sadd.s32 s4, s5;
	[dreg:$0x0] =	wrdreg $0x0  }
0x21: {  	s5 =	sshll.u32 s28, $0x1;
	[dreg:$0x2] =	wrdreg s4  }
0x22: {  	[dreg:$0x3] =	wrdreg s5  }
0x23: {  	[dreg:$0x4] =	wrdreg $0xC0  }
0x24: {  	_ =	task [dreg:s8], $0x5FFFF  }
0x25: {  	[dreg:$0x1] =	wrdreg $0xFFFFFFFF  }
0x26: {  	[dreg:$0x0] =	wrdreg $0x60  }
0x27: {  	[dreg:$0x2] =	wrdreg s2  }
0x28: {  	[dreg:$0x3] =	wrdreg s20  }
0x29: {  	[dreg:$0x4] =	wrdreg $0x9  }
0x2a: {  	_ =	task.clear_ibuf [dreg:s8], $0x5FFFF;
	_ =	strace $0x90000046  }
0x2b: {  	s29 =	simm.s32 $0x9;
	_ =	strace $0x80000048  }
0x2c: {  	_ =	swait.ge [sflag:s29], $0x1  }
0x2d: {  	[sflag:s29] =	ssyncadd.s32 $0xFFFFFFFF  }
0x2e: {  	_ =	strace $0x90000048  }
0x2f: {  	_ =	sfence  }
0x30: {  	s30 =	sld [smem:$0x0];
	_ =	sdelay $0x2  }
0x31: {  	s31 =	sshll.u32 s1, $0xD;
	s1 =	sshrl.u32 s1, $0x2  }
0x32: {  	s3 =	sand.u32 $0x4000, s31;
	s1 =	sadd.s32 s1, s30  }
0x33: {  	s0 =	sor.u32 s3, s0;
	s1 =	sshll.u32 s1, $0x11  }
0x34: {  	s0 =	sor.u32 s1, s0  }
0x35: {  	s0 =	sadd.s32 $0x8F2B, s0  }
0x36: {  	[sflag:s0] =	ssyncadd.remote.s32 $0x1  }
0x37: {  	_ =	sfence.sel $0xFFFF  }
0x38: {  	[dreg:$0x0] =	wrdreg $0xFFFFFFFF;
	(pc) =	sbr.abs _section_cstart, $3  }
0x39: {  	[dreg:$0x1] =	wrdreg $0xFFFFFFFF  }
0x3a: {  	_ =	task.clear_ibuf [dreg:s8], $0x2FFFF;
	_ =	strace $0x9FFFFFFF  }
0x3b: {  	(tm) =	ssettm $0x7FFFFFFF  }
tec
execute0_lowered:
.L_overlay_start_1:
0x0: {  	(tag) =	ssettag $0x1  }
0x1: {  	s0 =	srdreg.scid  }
0x2: {  	s1 =	sshll.u32 s0, $0x4  }
0x3: {  	s2 =	rddreg [dreg:$0x0];
	s0 =	stileid.u32;
	s1 =	sand.u32 $0x10, s1  }
0x4: {  	s4 =	rddreg [dreg:$0x1];
	s1 =	sor.u32 s0, s1  }
0x5: {  	s7 =	simm.s32 $0x1;
	s8 =	simm.s32 $0x2;
	s3 =	sshll.u32 s1, $0x1  }
0x6: {  	s9 =	simm.s32 $0x0;
	s12 =	simm.s32 $0x0;
	s6 =	ssub.s32 $0x400, s3  }
.Ltmp0:
0x7: {  	s11 =	simm.s32 $0x0;
	s5 =	sand.u32 $0x3E, s6;
	(pc) =	sbr.rel .LBB1_1-.Ltmp0, $4  }
0x8: {  	s1 =	rddreg [dreg:$0x2];
	_ =	strace $0x80000047;
	p0 =	sne.s32 s5, $0x0  }
0x9: {  	s6 =	sshrl.u32 s6, $0x6;
	s5 =	simm.s32 $0x1;
	s7 =	simm.s32 @!p0 $0x0  }
0xa: {  	s10 =	smov.u32 s3;
	[sflag:s5] =	ssyncpa.u1 $0x0;
	s6 =	sadd.s32 s7, s6  }
0xb: {  	[sflag:s8] =	ssyncpa.u1 $0x0;
	s8 =	simm.s32 $0x0;
	s7 =	sadd.s32 $0x1, s6  }
.LBB1_9:
0xc: {  	s14 =	sadd.s32 $0x40, s10  }
0xd: {  	p1 =	sgt.s32 s14, $0x3FF  }
0xe: {  	s14 =	smov.u32 @p1 s3;
	p1 =	sne.s32 s11, s7  }
.Ltmp1:
0xf: {  	p0 =	slt.u32 s11, $0x2;
	(pc) =	sbr.rel @!p1 .LBB1_10-.Ltmp1, $4  }
0x10: {  	s13 =	simm.s32 @!p0 $0x2  }
0x11: {  	s15 =	sadd.s32 $0x1, s11;
	_ =	swait.ge @!p0 [sflag:s13], $0x4000  }
0x12: {  	s12 =	smov.u32 s10;
	s9 =	sadd.s32 $0x4000, s9;
	[sflag:s13] =	ssyncset.done @!p0 $0x0  }
0x13: {  	s11 =	smov.u32 s15;
	s10 =	smov.u32 s14;
	[sflag:s13] =	ssyncadd.s32 @!p0 $0xFFFFC000  }
.LBB1_1:
0x14: {  	p0 =	sge.u32 s11, s6  }
0x15: {  	s13 =	sxor.u32 @!p0 $0xFFFFFFFF, s11  }
0x16: {  	s31 =	sadd.s32 $0xFFFFFFFF, s11;
	s14 =	sshll.u32 @!p0 s10, $0xA;
	s13 =	sshll.u32 @!p0 s13, $0xE  }
0x17: {  	s15 =	simm.s32 @!p0 $0x0;
	s14 =	sadd.s32 @!p0 s2, s14;
	s13 =	sand.u32 @!p0 $0x4000, s13  }
0x18: {  	[tilespmem:s13], [sflag:$0x1] =	stream.linear.gather @!p0 [hbm4b:s14+s15], $0x4000, $0x38;
	[tilespmem:$0x10000] =	vst v63  }
0x19: {  	p0 =	sge.u32 s31, s6  }
.Ltmp2:
0x1a: {  	_ = 	snop;
	(pc) =	sbr.rel @p0 .LBB1_9-.Ltmp2, $1  }
0x1b: {  	_ =	sdelay $0x3  }
0x1c: {  	s13 =	sshll.u32 s9, $0x2  }
0x1d: {  	_ =	swait.ge [sflag:s5], $0x4000;
	s14 =	sshll.u32 s11, $0xE;
	s16 =	simm.s32 $0x0  }
0x1e: {  	p1 =	por $0x1, $0x1;
	s13 =	sand.u32 $0x10000, s13;
	[sflag:s5] =	ssyncset.done $0x0  }
0x1f: {  	s14 =	sand.u32 $0x4000, s14;
	s15 =	sshrl.u32 s13, $0x2;
	[sflag:s5] =	ssyncadd.s32 $0xFFFFC000  }
0x20: {  	s13 =	sor.u32 $0x8000, s14;
	s14 =	sadd.s32 $0x8040, s15;
	s15 =	sadd.s32 $0x40, s15  }
.LBB1_3:
0x21: {  	s16 =	sshll.u32 s16, $0x2  }
0x22: {  	p0 =	por p1, p1;
	s17 =	sshra.s32 s16, $0x2  }
0x23: {  	s18 =	simm.s32 $0x0;
	s16 =	sadd.s32 s17, s14;
	s17 =	sadd.s32 s17, s15  }
.LBB1_4:
0x24: {  	v0 =	vmov s17;
	_ =	sdelay $0x3  }
0x25: {  	s20 =	simm.s32 $0x0  }
0x26: {  	v6 =	vld.idx.msk [tilespmem:v0+s20+$0x30 ss:$0x1], $0xffff  }
0x27: {  	v7 =	vld.idx.msk [tilespmem:v0+s20+$0xFFFFFFC0 ss:$0x1], $0xffff  }
0x28: {  	v5 =	vld.idx.msk [tilespmem:v0+s20+$0xFFFFFFD0 ss:$0x1], $0xffff  }
0x29: {  	v4 =	vld.idx.msk [tilespmem:v0+s20+$0xFFFFFFE0 ss:$0x1], $0xffff  }
0x2a: {  	v3 =	vld.idx.msk [tilespmem:v0+s20+$0xFFFFFFF0 ss:$0x1], $0xffff  }
0x2b: {  	v1 =	vld.idx.msk [tilespmem:v0+s20+$0x0 ss:$0x1], $0xffff  }
0x2c: {  	v2 =	vld.idx.msk [tilespmem:v0+s20+$0x10 ss:$0x1], $0xffff;
	[tilespmem:s16+$0x30] =	vst v6  }
0x2d: {  	s19 =	simm.s32 $0x80;
	s21 =	simm.s32 $0x400;
	[tilespmem:s16+$0xFFFFFFC0] =	vst v7;
	v6 =	vld.idx.msk [tilespmem:v0+s20+$0x20 ss:$0x1], $0xffff;
	s20 =	smov.u32 s16  }
.LBB1_5:
0x2e: {  	p1 =	sne.s32 s21, $0xE00;
	v7 =	vld.idx.msk [tilespmem:v0+s19+$0x30 ss:$0x1], $0xffff;
	[tilespmem:s20+$0xFFFFFFD0] =	vst v5  }
0x2f: {  	v8 =	vld.idx.msk [tilespmem:v0+s19+$0xFFFFFFC0 ss:$0x1], $0xffff;
	[tilespmem:s20+$0xFFFFFFE0] =	vst v4  }
0x30: {  	v5 =	vld.idx.msk [tilespmem:v0+s19+$0xFFFFFFD0 ss:$0x1], $0xffff;
	[tilespmem:s20+$0xFFFFFFF0] =	vst v3  }
.Ltmp3:
0x31: {  	v4 =	vld.idx.msk [tilespmem:v0+s19+$0xFFFFFFE0 ss:$0x1], $0xffff;
	[tilespmem:s20+$0x0] =	vst v1;
	(pc) =	sbr.rel @p1 .LBB1_5-.Ltmp3, $4  }
0x32: {  	v3 =	vld.idx.msk [tilespmem:v0+s19+$0xFFFFFFF0 ss:$0x1], $0xffff;
	[tilespmem:s20+$0x10] =	vst v2  }
0x33: {  	v1 =	vld.idx.msk [tilespmem:v0+s19+$0x0 ss:$0x1], $0xffff;
	[tilespmem:s20+$0x20] =	vst v6;
	s20 =	sadd.s32 $0x400, s20  }
0x34: {  	v2 =	vld.idx.msk [tilespmem:v0+s19+$0x10 ss:$0x1], $0xffff;
	[tilespmem:s20+$0x30] =	vst v7  }
0x35: {  	[tilespmem:s20+$0xFFFFFFC0] =	vst v8;
	v6 =	vld.idx.msk [tilespmem:v0+s19+$0x20 ss:$0x1], $0xffff;
	s19 =	sshra.s32 s21, $0x2;
	s21 =	sadd.s32 $0x200, s21  }
0x36: {  	_ =	sdelay $0x2  }
0x37: {  	[tilespmem:s20+$0xFFFFFFD0] =	vst v5  }
0x38: {  	v56 =	vld.idx.msk [tilespmem:v0+s19+$0x30 ss:$0x1], $0xffff;
	[tilespmem:s20+$0xFFFFFFE0] =	vst v4  }
0x39: {  	v57 =	vld.idx.msk [tilespmem:v0+s19+$0xFFFFFFC0 ss:$0x1], $0xffff;
	[tilespmem:s20+$0xFFFFFFF0] =	vst v3  }
0x3a: {  	v58 =	vld.idx.msk [tilespmem:v0+s19+$0xFFFFFFD0 ss:$0x1], $0xffff;
	[tilespmem:s20+$0x0] =	vst v1  }
0x3b: {  	v59 =	vld.idx.msk [tilespmem:v0+s19+$0xFFFFFFE0 ss:$0x1], $0xffff;
	[tilespmem:s20+$0x10] =	vst v2  }
0x3c: {  	v60 =	vld.idx.msk [tilespmem:v0+s19+$0xFFFFFFF0 ss:$0x1], $0xffff;
	s31 =	sadd.s32 $0x400, s20;
	[tilespmem:s20+$0x20] =	vst v6  }
0x3d: {  	v61 =	vld.idx.msk [tilespmem:v0+s19+$0x0 ss:$0x1], $0xffff;
	[tilespmem:s31+$0x30] =	vst v56  }
0x3e: {  	v62 =	vld.idx.msk [tilespmem:v0+s19+$0x10 ss:$0x1], $0xffff;
	s18 =	sadd.s32 $0x1, s18;
	[tilespmem:s31+$0xFFFFFFC0] =	vst v57  }
0x3f: {  	v63 =	vld.idx.msk [tilespmem:v0+s19+$0x20 ss:$0x1], $0xffff;
	p1 =	sne.s32 s18, $0x8;
	[tilespmem:s31+$0xFFFFFFD0] =	vst v58  }
.Ltmp4:
0x40: {  	[tilespmem:s31+$0xFFFFFFE0] =	vst v59;
	(pc) =	sbr.rel @p1 .LBB1_4-.Ltmp4, $4  }
0x41: {  	[tilespmem:s31+$0xFFFFFFF0] =	vst v60  }
0x42: {  	[tilespmem:s31+$0x0] =	vst v61  }
0x43: {  	[tilespmem:s31+$0x10] =	vst v62  }
0x44: {  	s16 =	sadd.s32 $0x80, s16;
	s17 =	sadd.s32 $0x400, s17;
	[tilespmem:s31+$0x20] =	vst v63  }
.Ltmp5:
0x45: {  	(pc) =	sbr.rel @p0 .LBB1_3-.Ltmp5, $2  }
0x46: {  	_ =	sdelay $0x2  }
0x47: {  	s16 =	simm.s32 $0x2000;
	p1 =	por $0x0, $0x0  }
.Ltmp6:
0x48: {  	(pc) =	sbr.rel .LBB1_9-.Ltmp6, $4  }
0x49: {  	_ = 	snop  }
0x4a: {  	s12 =	sshll.u32 s12, $0xA  }
0x4b: {  	s12 =	sadd.s32 s4, s12  }
0x4c: {  	[hbm4b:s12+s8] =	stream.linear.scatter [tilespmem:s13], [sflag:$0x2], $0x4000, $0x38;
	[tilespmem:$0x10000] =	vst v63  }
.LBB1_10:
0x4d: {  	_ =	sfence.sel $0x180000  }
0x4e: {  	s2 =	simm.s32 $0x1;
	[bflag:$0x0] =	sbarrier.arrive $0xFFFF  }
0x4f: {  	s31 =	simm.s32 $0x2;
	[sflag:s2] =	ssyncpa.u1 $0x1  }
0x50: {  	[sflag:s31] =	ssyncpa.u1 $0x1  }
0x51: {  	p0 =	sne.s32 s0, $0x0;
	_ =	strace $0x90000047  }
0x52: {  	s0 =	sadd.s32 @!p0 $0x100000, s1;
	[bflag:$0x2] =	sbarrier.arrive $0xFFFF  }
0x53: {  	[sflag:s0] =	ssyncadd.tile.s32 @!p0 $0x1;
	_ =	shalt  }
.Lfunc_end1:
_tile_overlayer_lowered:
.L_overlay_start_2:
0x54: {  	(tag) =	ssettag $0x2  }
0x55: {  	s0 =	rddreg [dreg:$0x0];
	s2 =	stileid.u32  }
0x56: {  	s1 =	rddreg [dreg:$0x1];
	p0 =	sne.s32 s2, $0x0  }
0x57: {  	s3 =	rddreg [dreg:$0x2];
	[bflag:$0x3] =	sbarrier.arrive $0xFFFF;
	s2 =	simm.s32 @!p0 $0x1C01  }
0x58: {  	[timem:s3], [sflag:s2] =	dma.local @!p0 [hbm:s0], s1  }
0x59: {  	s0 =	simm.s32 @!p0 $0x1  }
0x5a: {  	_ =	swait.ge @!p0 [sflag:s0], s1  }
0x5b: {  	s1 =	ssub.s32 @!p0 $0x0, s1;
	[sflag:s0] =	ssyncset.done @!p0 $0x0  }
0x5c: {  	[sflag:s0] =	ssyncadd.s32 @!p0 s1  }
0x5d: {  	[bflag:$0x3] =	sbarrier.arrive $0xFFFF  }
0x5e: {  	_ =	shalt  }

</sc_bundles>
